<compile_context>
chip_gen: v7x
topology: tpu7x:2x2x1
jax: 0.10.2.dev20260603
libtpu: 0.0.44.dev20260713+nightly
codegen_flags: <defaults>
</compile_context>

<pallas_src>
import functools

import jax
import jax.numpy as jnp
from jax.experimental import pallas as pl
from jax.experimental.pallas import tpu as pltpu
from jax.experimental.pallas import tpu_sc as plsc

COMMITMENT_COST = 0.25
EPSILON = 1e-05


def _vq_main(z_ref, emb_ref, e2_ref, ph_ref, cnt_ref, idx_ref, *, T, M):
    r = pl.program_id(1)
    x = z_ref[0]
    emb = emb_ref[...]
    RB = x.shape[0]

    x2 = jnp.sum(x * x, axis=1, keepdims=True)
    xz = jax.lax.dot_general(x, emb, (((1,), (1,)), ((), ())),
                             preferred_element_type=jnp.float32)
    dist = e2_ref[...] + x2 - 2.0 * xz

    dmin = jnp.min(dist, axis=1, keepdims=True)
    ee = jnp.exp(-jnp.sqrt(dist))
    s = jnp.sum(ee, axis=1, keepdims=True)
    recip = jnp.transpose((1.0 / T) / s)
    php = jax.lax.dot_general(recip, ee, (((1,), (0,)), ((), ())),
                              preferred_element_type=jnp.float32)

    iota = jax.lax.broadcasted_iota(jnp.int32, (RB, M), 1)
    idxm = jnp.where(dist == dmin, iota, M)
    idx = jnp.min(idxm, axis=1, keepdims=True)
    onehot = (iota == idx).astype(jnp.bfloat16)
    ones_row = jnp.ones((1, RB), jnp.bfloat16)
    cnt = jax.lax.dot_general(ones_row, onehot, (((1,), (0,)), ((), ())),
                              preferred_element_type=jnp.float32)

    idx_ref[0] = idx

    @pl.when(r == 0)
    def _():
        ph_ref[...] = jnp.zeros_like(ph_ref)
        cnt_ref[...] = jnp.zeros_like(cnt_ref)

    ph_ref[0] += php
    cnt_ref[0] += cnt


def _sc_gather(embedding, idx_flat, n, d):
    W = 128
    mesh = plsc.VectorSubcoreMesh(core_axis_name="c", subcore_axis_name="s")

    @functools.partial(
        pl.kernel,
        out_type=jax.ShapeDtypeStruct((n, d), jnp.float32),
        mesh=mesh,
    )
    def _gather_kernel(emb_hbm, i_hbm, o_hbm):
        def body(i_vmem, o_vmem):
            pltpu.sync_copy(emb_hbm.at[i_vmem.at[0]], o_vmem)

        pltpu.emit_pipeline(
            body,
            grid=(n // W,),
            in_specs=[pl.BlockSpec((1, W), lambda i: (0, i))],
            out_specs=[pl.BlockSpec((W, d), lambda i: (i, 0))],
            core_axis_name=("c", "s"),
            dimension_semantics=(pltpu.PARALLEL,),
        )(i_hbm, o_hbm)

    return _gather_kernel(embedding, idx_flat.reshape(1, n))


def _epilogue(z_ref, q_ref, ph_ref, cnt_ref,
              sta_ref, ste_ref, aloss_ref, eloss_ref, aperp_ref, eperp_ref,
              cmcm_ref, eq_ref, *, B, T, D, M):
    z = z_ref[...]
    q = q_ref[...]

    n = B * T * D
    a, e = z[:B], z[B:]
    aq, eq = q[:B], q[B:]
    sta_ref[...] = a + (aq - a)
    ste_ref[...] = e + (eq - e)

    def mse(x, y):
        d = x - y
        return jnp.sum(d * d) * (1.0 / n)

    aloss_ref[...] = jnp.reshape(COMMITMENT_COST * (2.0 * mse(a, aq) + mse(a, eq)), (1, 1))
    eloss_ref[...] = jnp.reshape(COMMITMENT_COST * (2.0 * mse(e, eq) + mse(e, aq)), (1, 1))

    a_ph = ph_ref[:B, 0, :]
    e_ph = ph_ref[B:, 0, :]
    la = jnp.log(a_ph + 1e-10)
    le = jnp.log(e_ph + 1e-10)
    Scode = (jax.lax.dot_general(a_ph, le, (((1,), (1,)), ((), ())),
                                 preferred_element_type=jnp.float32)
             + jax.lax.dot_general(e_ph, la, (((1,), (1,)), ((), ())),
                                   preferred_element_type=jnp.float32))
    MaxScode = jnp.max(-Scode)
    EScode = jnp.exp(Scode + MaxScode)
    rsum = jnp.sum(EScode, axis=1, keepdims=True)
    ri = jax.lax.broadcasted_iota(jnp.int32, (B, B), 0)
    ci = jax.lax.broadcasted_iota(jnp.int32, (B, B), 1)
    diag = jnp.sum(jnp.where(ri == ci, EScode, 0.0), axis=1, keepdims=True)
    Lcmcm = -jnp.sum(jnp.log(diag / (rsum + EPSILON))) * (1.0 / B)
    cmcm_ref[...] = jnp.reshape(0.5 * Lcmcm, (1, 1))

    a_cnt = cnt_ref[:B, 0, :]
    e_cnt = cnt_ref[B:, 0, :]
    iota = jax.lax.broadcasted_iota(jnp.int32, (B, M), 1)
    amax = jnp.max(a_cnt, axis=1, keepdims=True)
    emax = jnp.max(e_cnt, axis=1, keepdims=True)
    a_mode = jnp.min(jnp.where(a_cnt == amax, iota, M), axis=1, keepdims=True)
    e_mode = jnp.min(jnp.where(e_cnt == emax, iota, M), axis=1, keepdims=True)
    eq_ref[...] = jnp.reshape(jnp.sum((a_mode == e_mode).astype(jnp.int32)), (1, 1))

    inv_n = 1.0 / (B * T)
    pa = jnp.sum(a_cnt, axis=0, keepdims=True) * inv_n
    pe = jnp.sum(e_cnt, axis=0, keepdims=True) * inv_n
    aperp_ref[...] = jnp.reshape(jnp.exp(-jnp.sum(pa * jnp.log(pa + 1e-10))), (1, 1))
    eperp_ref[...] = jnp.reshape(jnp.exp(-jnp.sum(pe * jnp.log(pe + 1e-10))), (1, 1))


def kernel(audio_semantic, eeg_semantic, embedding):
    B, T, D = audio_semantic.shape
    M = embedding.shape[0]
    RB = 288
    nr = T // RB
    G = 2 * B

    z = jnp.concatenate([audio_semantic, eeg_semantic], axis=0)
    e2 = jnp.sum(embedding * embedding, axis=1)[None, :]

    ph, cnt, idx = pl.pallas_call(
        functools.partial(_vq_main, T=T, M=M),
        grid=(G, nr),
        in_specs=[
            pl.BlockSpec((1, RB, D), lambda g, r: (g, r, 0)),
            pl.BlockSpec((M, D), lambda g, r: (0, 0)),
            pl.BlockSpec((1, M), lambda g, r: (0, 0)),
        ],
        out_specs=[
            pl.BlockSpec((1, 1, M), lambda g, r: (g, 0, 0)),
            pl.BlockSpec((1, 1, M), lambda g, r: (g, 0, 0)),
            pl.BlockSpec((1, RB, 1), lambda g, r: (g, r, 0)),
        ],
        out_shape=[
            jax.ShapeDtypeStruct((G, 1, M), jnp.float32),
            jax.ShapeDtypeStruct((G, 1, M), jnp.float32),
            jax.ShapeDtypeStruct((G, T, 1), jnp.int32),
        ],
    )(z, embedding, e2)

    q = _sc_gather(embedding, idx, G * T, D).reshape(G, T, D)

    sta, ste, a_loss, e_loss, a_perp, e_perp, cmcm, eqn = pl.pallas_call(
        functools.partial(_epilogue, B=B, T=T, D=D, M=M),
        grid=(1,),
        in_specs=[
            pl.BlockSpec((G, T, D), lambda i: (0, 0, 0)),
            pl.BlockSpec((G, T, D), lambda i: (0, 0, 0)),
            pl.BlockSpec((G, 1, M), lambda i: (0, 0, 0)),
            pl.BlockSpec((G, 1, M), lambda i: (0, 0, 0)),
        ],
        out_specs=[
            pl.BlockSpec((B, T, D), lambda i: (0, 0, 0)),
            pl.BlockSpec((B, T, D), lambda i: (0, 0, 0)),
            pl.BlockSpec((1, 1), lambda i: (0, 0)),
            pl.BlockSpec((1, 1), lambda i: (0, 0)),
            pl.BlockSpec((1, 1), lambda i: (0, 0)),
            pl.BlockSpec((1, 1), lambda i: (0, 0)),
            pl.BlockSpec((1, 1), lambda i: (0, 0)),
            pl.BlockSpec((1, 1), lambda i: (0, 0)),
        ],
        out_shape=[
            jax.ShapeDtypeStruct((B, T, D), jnp.float32),
            jax.ShapeDtypeStruct((B, T, D), jnp.float32),
            jax.ShapeDtypeStruct((1, 1), jnp.float32),
            jax.ShapeDtypeStruct((1, 1), jnp.float32),
            jax.ShapeDtypeStruct((1, 1), jnp.float32),
            jax.ShapeDtypeStruct((1, 1), jnp.float32),
            jax.ShapeDtypeStruct((1, 1), jnp.float32),
            jax.ShapeDtypeStruct((1, 1), jnp.int32),
        ],
    )(z, q, ph, cnt)

    return (sta, ste, a_loss[0, 0], e_loss[0, 0],
            a_perp[0, 0], e_perp[0, 0], cmcm[0, 0], eqn[0, 0])

# --- scband reference (transcript-rebuilt; emitter-appended) ---
"""Pipeline reference for scband-cross-vqembedding-ema-60163901882670 (READ-ONLY COPY).

The authoritative reference and input builder live on the scoring server;
editing this copy changes nothing except your own understanding.
"""

import jax, jax.numpy as jnp
import numpy as np

COMMITMENT_COST = 0.25
EPSILON = 1e-05

B, T, D, M = 8, 576, 256, 8192


def setup_inputs(seed: int = 0) -> dict:
    key = jax.random.key(seed)
    k1, k2, k3 = jax.random.split(key, 3)
    audio_semantic = jax.random.normal(k1, (B, T, D), dtype=jnp.float32)
    eeg_semantic = jax.random.normal(k2, (B, T, D), dtype=jnp.float32)
    init_bound = 1.0 / 400.0
    embedding = jax.random.uniform(k3, (M, D), minval=-init_bound, maxval=init_bound, dtype=jnp.float32)
    return {"audio_semantic": audio_semantic, "eeg_semantic": eeg_semantic, "embedding": embedding}


def _forward(audio_semantic, eeg_semantic, embedding):
    sg = jax.lax.stop_gradient
    M_, D_ = embedding.shape
    B_, T_, _ = audio_semantic.shape

    def get_distances(flat):
        return jnp.sum(embedding ** 2, axis=1) + jnp.sum(flat ** 2, axis=1, keepdims=True) - 2.0 * (flat @ embedding.T)

    a_flat = sg(audio_semantic).reshape(-1, D_)
    e_flat = sg(eeg_semantic).reshape(-1, D_)
    a_dis = get_distances(a_flat)
    e_dis = get_distances(e_flat)
    a_dis_grad = get_distances(audio_semantic.reshape(-1, D_))
    e_dis_grad = get_distances(eeg_semantic.reshape(-1, D_))

    a_ph = jax.nn.softmax(-jnp.sqrt(a_dis_grad), axis=1).reshape(B_, T_, M_).mean(axis=1)
    e_ph = jax.nn.softmax(-jnp.sqrt(e_dis_grad), axis=1).reshape(B_, T_, M_).mean(axis=1)

    Scode = a_ph @ jnp.log(e_ph.T + 1e-10) + e_ph @ jnp.log(a_ph.T + 1e-10)
    MaxScode = jnp.max(-Scode)
    EScode = jnp.exp(Scode + MaxScode)
    EScode_dim1sum = jnp.sum(EScode, axis=1)
    Lcmcm = -jnp.sum(jnp.log(jnp.diagonal(EScode) / (EScode_dim1sum + EPSILON))) / B_

    a_indices = jnp.argmin(a_dis, axis=-1)
    e_indices = jnp.argmin(e_dis, axis=-1)
    a_quantized = jnp.take(embedding, a_indices, axis=0).reshape(B_, T_, D_)
    e_quantized = jnp.take(embedding, e_indices, axis=0).reshape(B_, T_, D_)

    # torch .mode(dim=-1): most frequent value; argmax of bincount returns the
    # smallest value among ties, matching torch's tie-break for index-valued data.
    a_counts = jax.vmap(lambda r: jnp.bincount(r, length=M_))(a_indices.reshape(B_, T_))
    e_counts = jax.vmap(lambda r: jnp.bincount(r, length=M_))(e_indices.reshape(B_, T_))
    a_mode = jnp.argmax(a_counts, axis=1)
    e_mode = jnp.argmax(e_counts, axis=1)
    equal_num = jnp.sum(a_mode == e_mode)

    cmcm_loss = 0.5 * Lcmcm

    def mse(x, y):
        return jnp.mean((x - y) ** 2)

    a_e_latent_loss = mse(audio_semantic, sg(a_quantized))
    ae_e_latent_loss = mse(audio_semantic, sg(e_quantized))
    a_loss = COMMITMENT_COST * (2.0 * a_e_latent_loss + ae_e_latent_loss)
    e_e_latent_loss = mse(eeg_semantic, sg(e_quantized))
    ea_e_latent_loss = mse(eeg_semantic, sg(a_quantized))
    e_loss = COMMITMENT_COST * (2.0 * e_e_latent_loss + ea_e_latent_loss)

    a_quantized_st = audio_semantic + sg(a_quantized - audio_semantic)
    e_quantized_st = eeg_semantic + sg(e_quantized - eeg_semantic)

    N = a_indices.shape[0]
    # mean of one-hot encodings == normalized bincount (avoids materializing [BT, M] one-hot)
    a_avg_probs = jnp.bincount(a_indices, length=M_).astype(jnp.float32) / N
    a_perplexity = jnp.exp(-jnp.sum(a_avg_probs * jnp.log(a_avg_probs + 1e-10)))
    e_avg_probs = jnp.bincount(e_indices, length=M_).astype(jnp.float32) / N
    e_perplexity = jnp.exp(-jnp.sum(e_avg_probs * jnp.log(e_avg_probs + 1e-10)))

    return (a_quantized_st, e_quantized_st, a_loss, e_loss, a_perplexity, e_perplexity, cmcm_loss, equal_num)


def reference(audio_semantic, eeg_semantic, embedding):
    return _forward(audio_semantic, eeg_semantic, embedding)

if __name__ == "__main__":
    import jax
    _d = setup_inputs()
    print(jax.jit(kernel)(*tuple(_d.values())))

</pallas_src>

<mosaic_0001>
#map = affine_map<(d0, d1) -> (0, 0)>
module attributes {stable_mosaic.version = 14 : i64} {
  func.func @_gather_kernel(%arg0: i32, %arg1: i32, %arg2: memref<8192x256xf32, #tpu.memory_space<hbm>>, %arg3: memref<1x9216xi32, #tpu.memory_space<hbm>>, %arg4: memref<9216x256xf32, #tpu.memory_space<hbm>>) attributes {dimension_semantics = [#tpu.dimension_semantics<core_parallel>, #tpu.dimension_semantics<subcore_parallel>], iteration_bounds = array<i64: 2, 16>, scalar_prefetch = 0 : i64, scratch_operands = 0 : i64, tpu.core_type = #tpu.core_type<sc_vector_subcore>, window_params = [{transform_indices = #map}, {transform_indices = #map}, {transform_indices = #map}]} {
    %mul3A = arith.constant 1 : i32
    %mul3A_0 = arith.muli %arg1, %mul3A : i32
    %add3A = arith.constant 0 : i32
    %add3A_1 = arith.addi %add3A, %mul3A_0 : i32
    %mul3A_2 = arith.constant 16 : i32
    %mul3A_3 = arith.muli %arg0, %mul3A_2 : i32
    %add3A_4 = arith.addi %add3A_1, %mul3A_3 : i32
    %lt3A = arith.constant 8 : i32
    %lt3A_5 = arith.cmpi slt, %add3A_4, %lt3A : i32
    %jit3A = arith.constant 3 : i32
    %jit3A_6 = arith.constant 2 : i32
    %select_n3A = arith.select %lt3A_5, %jit3A, %jit3A_6 : i32
    %lt3A_7 = arith.constant 8 : i32
    %lt3A_8 = arith.cmpi slt, %add3A_4, %lt3A_7 : i32
    %mul3A_9 = arith.muli %add3A_4, %select_n3A : i32
    %mul3A_10 = arith.constant 2 : i32
    %mul3A_11 = arith.muli %add3A_4, %mul3A_10 : i32
    %add3A_12 = arith.constant 8 : i32
    %add3A_13 = arith.addi %mul3A_11, %add3A_12 : i32
    %select_n3A_14 = arith.select %lt3A_8, %mul3A_9, %add3A_13 : i32
    %mul3A_15 = arith.constant 1 : i32
    %mul3A_16 = arith.muli %mul3A_15, %select_n3A : i32
    "tpu.region"() ({
      %run_scoped3A = memref.alloca() : memref<2x1x128xi32, #tpu.memory_space<vmem>>
      %run_scoped3A_17 = tpu.sem_alloc : memref<2x!tpu.dma_semaphore, #tpu.memory_space<semaphore_mem>>
      %run_scoped3A_18 = memref.alloca() : memref<2x128x256xf32, #tpu.memory_space<vmem>>
      %run_scoped3A_19 = tpu.sem_alloc : memref<2x!tpu.dma_semaphore, #tpu.memory_space<semaphore_mem>>
      %gt3A = arith.constant 0 : i32
      %gt3A_20 = arith.cmpi sgt, %mul3A_16, %gt3A : i32
      %convert_element_type3A = arith.extui %gt3A_20 : i1 to i32
      %cond3A = arith.constant 0 : i32
      %cond3A_21 = arith.cmpi ne, %convert_element_type3A, %cond3A : i32
      scf.if %cond3A_21 {
        %mul3A_22 = arith.constant 1 : i32
        %mul3A_23 = arith.muli %mul3A_22, %select_n3A : i32
        %sub3A = arith.constant 1 : i32
        %sub3A_24 = arith.subi %mul3A_23, %sub3A : i32
        %eq3A = arith.constant 0 : i32
        %eq3A_25 = arith.cmpi eq, %sub3A_24, %eq3A : i32
        %add3A_26 = arith.constant 0 : i32
        %add3A_27 = arith.addi %add3A_26, %select_n3A_14 : i32
        %select_n3A_28 = arith.constant true
        %select_n3A_29 = arith.constant 0 : i32
        %select_n3A_30 = arith.constant -1 : i32
        %select_n3A_31 = arith.select %select_n3A_28, %select_n3A_30, %select_n3A_29 : i32
        %eq3A_32 = arith.constant -1 : i32
        %eq3A_33 = arith.cmpi eq, %select_n3A_31, %eq3A_32 : i32
        %sub3A_34 = arith.constant 1 : i32
        %sub3A_35 = arith.subi %select_n3A, %sub3A_34 : i32
        %select_n3A_36 = arith.select %eq3A_33, %sub3A_35, %select_n3A_31 : i32
        %add3A_37 = arith.addi %select_n3A_36, %select_n3A_14 : i32
        %select_n3A_38 = arith.constant true
        %select_n3A_39 = arith.constant 0 : i32
        %select_n3A_40 = arith.constant 1 : i32
        %select_n3A_41 = arith.select %select_n3A_38, %select_n3A_40, %select_n3A_39 : i32
        %eq3A_42 = arith.cmpi eq, %select_n3A_41, %select_n3A : i32
        %select_n3A_43 = arith.constant 0 : i32
        %select_n3A_44 = arith.select %eq3A_42, %select_n3A_43, %select_n3A_41 : i32
        %add3A_45 = arith.addi %select_n3A_44, %select_n3A_14 : i32
        %add3A_46 = arith.constant 1 : i32
        %add3A_47 = arith.addi %select_n3A_44, %add3A_46 : i32
        %select_n3A_48 = arith.constant true
        %select_n3A_49 = arith.select %select_n3A_48, %add3A_47, %select_n3A_44 : i32
        %eq3A_50 = arith.cmpi eq, %select_n3A_49, %select_n3A : i32
        %select_n3A_51 = arith.constant 0 : i32
        %select_n3A_52 = arith.select %eq3A_50, %select_n3A_51, %select_n3A_49 : i32
        %add3A_53 = arith.addi %select_n3A_52, %select_n3A_14 : i32
        "tpu.trace_start"() <{level = 10 : i32, message = "ep_initialize_0"}> : () -> ()
        %rem3A = arith.constant 0 : i32
        %rem3A_54 = arith.constant 2 : i32
        %rem3A_55 = arith.remui %rem3A, %rem3A_54 : i32
        %mul3A_56 = arith.constant 128 : i32
        %mul3A_57 = arith.muli %mul3A_56, %add3A_27 : i32
        %dma_start3A = arith.constant 0 : i32
        %dma_start3A_58 = arith.constant 0 : i32
        %dma_start3A_59 = tpu.memref_slice %run_scoped3A[%rem3A_55, %dma_start3A, %dma_start3A_58] : memref<2x1x128xi32, #tpu.memory_space<vmem>> -> memref<1x1x128xi32, #tpu.memory_space<vmem>>
        %dma_start3A_60 = tpu.memref_squeeze %dma_start3A_59 : memref<1x1x128xi32, #tpu.memory_space<vmem>> -> memref<1x128xi32, #tpu.memory_space<vmem>>
        %dma_start3A_61 = arith.constant 0 : i32
        %dma_start3A_62 = tpu.memref_slice %arg3[%dma_start3A_61, %mul3A_57] : memref<1x9216xi32, #tpu.memory_space<hbm>> -> memref<1x128xi32, #tpu.memory_space<hbm>>
        %dma_start3A_63 = tpu.memref_slice %run_scoped3A_17[%rem3A_55] : memref<2x!tpu.dma_semaphore, #tpu.memory_space<semaphore_mem>> -> memref<1x!tpu.dma_semaphore, #tpu.memory_space<semaphore_mem>>
        %dma_start3A_64 = tpu.memref_squeeze %dma_start3A_63 : memref<1x!tpu.dma_semaphore, #tpu.memory_space<semaphore_mem>> -> memref<!tpu.dma_semaphore, #tpu.memory_space<semaphore_mem>>
        %dma_start3A_65 = arith.constant 0 : i32
        %dma_start3A_66 = arith.constant 0 : i32
        %dma_start3A_67 = tpu.memref_slice %run_scoped3A[%rem3A_55, %dma_start3A_65, %dma_start3A_66] : memref<2x1x128xi32, #tpu.memory_space<vmem>> -> memref<1x1x128xi32, #tpu.memory_space<vmem>>
        %dma_start3A_68 = tpu.memref_squeeze %dma_start3A_67 : memref<1x1x128xi32, #tpu.memory_space<vmem>> -> memref<1x128xi32, #tpu.memory_space<vmem>>
        %dma_start3A_69 = arith.constant 0 : i32
        %dma_start3A_70 = tpu.memref_slice %arg3[%dma_start3A_69, %mul3A_57] : memref<1x9216xi32, #tpu.memory_space<hbm>> -> memref<1x128xi32, #tpu.memory_space<hbm>>
        tpu.enqueue_dma source(%dma_start3A_70 : memref<1x128xi32, #tpu.memory_space<hbm>>) target(%dma_start3A_68 : memref<1x128xi32, #tpu.memory_space<vmem>>) target_semaphore(%dma_start3A_64 : memref<!tpu.dma_semaphore, #tpu.memory_space<semaphore_mem>>)
        %add3A_71 = arith.constant 0 : i32
        %add3A_72 = arith.constant 1 : i32
        %add3A_73 = arith.addi %add3A_71, %add3A_72 : i32
        %select_n3A_74 = arith.constant true
        %select_n3A_75 = arith.constant 0 : i32
        %select_n3A_76 = arith.select %select_n3A_74, %add3A_73, %select_n3A_75 : i32
        %while3A = arith.constant 0 : i32
        %while3A_77 = arith.constant 0 : i32
        %while3A_78 = arith.constant 0 : i32
        %while3A_79 = arith.constant 0 : i32
        %while3A_80 = arith.constant 0 : i32
        "tpu.trace_stop"() : () -> ()
        %while3A_81 = arith.subi %mul3A_16, %while3A : i32
        %while3A_82 = arith.addi %while3A, %while3A_81 : i32
        %while3A_83 = arith.constant 1 : i32
        %while3A_84 = arith.divsi %while3A_81, %while3A_83 : i32
        %while3A_85 = arith.muli %while3A_84, %while3A_83 : i32
        %while3A_86 = arith.addi %while3A, %while3A_85 : i32
        %while3A_87 = arith.constant 1 : i32
        %while3A_88:5 = scf.for %while3A_142 = %while3A to %while3A_86 step %while3A_87 iter_args(%while3A_143 = %select_n3A_76, %while3A_144 = %while3A_77, %while3A_145 = %while3A_78, %while3A_146 = %while3A_79, %while3A_147 = %while3A_80) -> (i32, i32, i32, i32, i32)  : i32 {
          %mul3A_148 = arith.constant 1 : i32
          %mul3A_149 = arith.muli %mul3A_148, %select_n3A : i32
          %eq3A_150 = arith.constant 0 : i32
          %eq3A_151 = arith.cmpi eq, %while3A_142, %eq3A_150 : i32
          %sub3A_152 = arith.constant 1 : i32
          %sub3A_153 = arith.subi %mul3A_149, %sub3A_152 : i32
          %eq3A_154 = arith.cmpi eq, %while3A_142, %sub3A_153 : i32
          %add3A_155 = arith.addi %while3A_147, %select_n3A_14 : i32
          %sub3A_156 = arith.constant 1 : i32
          %sub3A_157 = arith.subi %while3A_147, %sub3A_156 : i32
          %select_n3A_158 = arith.constant true
          %select_n3A_159 = arith.select %select_n3A_158, %sub3A_157, %while3A_147 : i32
          %eq3A_160 = arith.constant -1 : i32
          %eq3A_161 = arith.cmpi eq, %select_n3A_159, %eq3A_160 : i32
          %sub3A_162 = arith.constant 1 : i32
          %sub3A_163 = arith.subi %select_n3A, %sub3A_162 : i32
          %select_n3A_164 = arith.select %eq3A_161, %sub3A_163, %select_n3A_159 : i32
          %add3A_165 = arith.addi %select_n3A_164, %select_n3A_14 : i32
          %add3A_166 = arith.constant 1 : i32
          %add3A_167 = arith.addi %while3A_147, %add3A_166 : i32
          %select_n3A_168 = arith.constant true
          %select_n3A_169 = arith.select %select_n3A_168, %add3A_167, %while3A_147 : i32
          %eq3A_170 = arith.cmpi eq, %select_n3A_169, %select_n3A : i32
          %select_n3A_171 = arith.constant 0 : i32
          %select_n3A_172 = arith.select %eq3A_170, %select_n3A_171, %select_n3A_169 : i32
          %add3A_173 = arith.addi %select_n3A_172, %select_n3A_14 : i32
          %add3A_174 = arith.constant 1 : i32
          %add3A_175 = arith.addi %select_n3A_172, %add3A_174 : i32
          %select_n3A_176 = arith.constant true
          %select_n3A_177 = arith.select %select_n3A_176, %add3A_175, %select_n3A_172 : i32
          %eq3A_178 = arith.cmpi eq, %select_n3A_177, %select_n3A : i32
          %select_n3A_179 = arith.constant 0 : i32
          %select_n3A_180 = arith.select %eq3A_178, %select_n3A_179, %select_n3A_177 : i32
          %add3A_181 = arith.addi %select_n3A_180, %select_n3A_14 : i32
          %ne3A = arith.cmpi ne, %add3A_155, %add3A_173 : i32
          %or3A = arith.constant false
          %or3A_182 = arith.ori %or3A, %ne3A : i1
          %sub3A_183 = arith.constant 2 : i32
          %sub3A_184 = arith.subi %mul3A_149, %sub3A_183 : i32
          %add3A_185 = arith.constant 1 : i32
          %add3A_186 = arith.addi %sub3A_184, %add3A_185 : i32
          %ge3A = arith.cmpi sge, %while3A_142, %add3A_186 : i32
          %not3A = arith.constant true
          %not3A_187 = arith.xori %ge3A, %not3A : i1
          %and3A = arith.andi %or3A_182, %not3A_187 : i1
          %convert_element_type3A_188 = arith.extui %and3A : i1 to i32
          %cond3A_189 = arith.constant 0 : i32
          %cond3A_190 = arith.cmpi ne, %convert_element_type3A_188, %cond3A_189 : i32
          scf.if %cond3A_190 {
            "tpu.trace_start"() <{level = 10 : i32, message = "ep_copy_in"}> : () -> ()
            %rem3A_294 = arith.constant 2 : i32
            %rem3A_295 = arith.remui %while3A_143, %rem3A_294 : i32
            %mul3A_296 = arith.constant 128 : i32
            %mul3A_297 = arith.muli %mul3A_296, %add3A_173 : i32
            %dma_start3A_298 = arith.constant 0 : i32
            %dma_start3A_299 = arith.constant 0 : i32
            %dma_start3A_300 = tpu.memref_slice %run_scoped3A[%rem3A_295, %dma_start3A_298, %dma_start3A_299] : memref<2x1x128xi32, #tpu.memory_space<vmem>> -> memref<1x1x128xi32, #tpu.memory_space<vmem>>
            %dma_start3A_301 = tpu.memref_squeeze %dma_start3A_300 : memref<1x1x128xi32, #tpu.memory_space<vmem>> -> memref<1x128xi32, #tpu.memory_space<vmem>>
            %dma_start3A_302 = arith.constant 0 : i32
            %dma_start3A_303 = tpu.memref_slice %arg3[%dma_start3A_302, %mul3A_297] : memref<1x9216xi32, #tpu.memory_space<hbm>> -> memref<1x128xi32, #tpu.memory_space<hbm>>
            %dma_start3A_304 = tpu.memref_slice %run_scoped3A_17[%rem3A_295] : memref<2x!tpu.dma_semaphore, #tpu.memory_space<semaphore_mem>> -> memref<1x!tpu.dma_semaphore, #tpu.memory_space<semaphore_mem>>
            %dma_start3A_305 = tpu.memref_squeeze %dma_start3A_304 : memref<1x!tpu.dma_semaphore, #tpu.memory_space<semaphore_mem>> -> memref<!tpu.dma_semaphore, #tpu.memory_space<semaphore_mem>>
            %dma_start3A_306 = arith.constant 0 : i32
            %dma_start3A_307 = arith.constant 0 : i32
            %dma_start3A_308 = tpu.memref_slice %run_scoped3A[%rem3A_295, %dma_start3A_306, %dma_start3A_307] : memref<2x1x128xi32, #tpu.memory_space<vmem>> -> memref<1x1x128xi32, #tpu.memory_space<vmem>>
            %dma_start3A_309 = tpu.memref_squeeze %dma_start3A_308 : memref<1x1x128xi32, #tpu.memory_space<vmem>> -> memref<1x128xi32, #tpu.memory_space<vmem>>
            %dma_start3A_310 = arith.constant 0 : i32
            %dma_start3A_311 = tpu.memref_slice %arg3[%dma_start3A_310, %mul3A_297] : memref<1x9216xi32, #tpu.memory_space<hbm>> -> memref<1x128xi32, #tpu.memory_space<hbm>>
            tpu.enqueue_dma source(%dma_start3A_311 : memref<1x128xi32, #tpu.memory_space<hbm>>) target(%dma_start3A_309 : memref<1x128xi32, #tpu.memory_space<vmem>>) target_semaphore(%dma_start3A_305 : memref<!tpu.dma_semaphore, #tpu.memory_space<semaphore_mem>>)
            "tpu.trace_stop"() : () -> ()
          } else {
          }
          %and3A_191 = arith.constant true
          %and3A_192 = arith.andi %and3A, %and3A_191 : i1
          %add3A_193 = arith.constant 1 : i32
          %add3A_194 = arith.addi %while3A_143, %add3A_193 : i32
          %select_n3A_195 = arith.select %and3A_192, %add3A_194, %while3A_143 : i32
          %ne3A_196 = arith.cmpi ne, %add3A_155, %add3A_173 : i32
          %or3A_197 = arith.constant false
          %or3A_198 = arith.ori %or3A_197, %ne3A_196 : i1
          %or3A_199 = arith.constant false
          %or3A_200 = arith.ori %or3A_198, %or3A_199 : i1
          %sub3A_201 = arith.constant 2 : i32
          %sub3A_202 = arith.subi %mul3A_149, %sub3A_201 : i32
          %add3A_203 = arith.constant 1 : i32
          %add3A_204 = arith.addi %sub3A_202, %add3A_203 : i32
          %ge3A_205 = arith.cmpi sge, %while3A_142, %add3A_204 : i32
          %not3A_206 = arith.constant true
          %not3A_207 = arith.xori %ge3A_205, %not3A_206 : i1
          %and3A_208 = arith.andi %or3A_200, %not3A_207 : i1
          %ne3A_209 = arith.cmpi ne, %add3A_155, %add3A_165 : i32
          %or3A_210 = arith.constant false
          %or3A_211 = arith.ori %or3A_210, %ne3A_209 : i1
          %or3A_212 = arith.ori %or3A_211, %eq3A_151 : i1
          %convert_element_type3A_213 = arith.extui %or3A_212 : i1 to i32
          %cond3A_214 = arith.constant 0 : i32
          %cond3A_215 = arith.cmpi ne, %convert_element_type3A_213, %cond3A_214 : i32
          scf.if %cond3A_215 {
            "tpu.trace_start"() <{level = 10 : i32, message = "ep_wait_in"}> : () -> ()
            %mul3A_294 = arith.constant 128 : i32
            %mul3A_295 = arith.muli %mul3A_294, %add3A_155 : i32
            %rem3A_296 = arith.constant 2 : i32
            %rem3A_297 = arith.remui %while3A_144, %rem3A_296 : i32
            %dma_wait3A = arith.constant 0 : i32
            %dma_wait3A_298 = arith.constant 0 : i32
            %dma_wait3A_299 = tpu.memref_slice %run_scoped3A[%rem3A_297, %dma_wait3A, %dma_wait3A_298] : memref<2x1x128xi32, #tpu.memory_space<vmem>> -> memref<1x1x128xi32, #tpu.memory_space<vmem>>
            %dma_wait3A_300 = tpu.memref_squeeze %dma_wait3A_299 : memref<1x1x128xi32, #tpu.memory_space<vmem>> -> memref<1x128xi32, #tpu.memory_space<vmem>>
            %dma_wait3A_301 = arith.constant 0 : i32
            %dma_wait3A_302 = tpu.memref_slice %arg3[%dma_wait3A_301, %mul3A_295] : memref<1x9216xi32, #tpu.memory_space<hbm>> -> memref<1x128xi32, #tpu.memory_space<hbm>>
            %dma_wait3A_303 = tpu.memref_slice %run_scoped3A_17[%rem3A_297] : memref<2x!tpu.dma_semaphore, #tpu.memory_space<semaphore_mem>> -> memref<1x!tpu.dma_semaphore, #tpu.memory_space<semaphore_mem>>
            %dma_wait3A_304 = tpu.memref_squeeze %dma_wait3A_303 : memref<1x!tpu.dma_semaphore, #tpu.memory_space<semaphore_mem>> -> memref<!tpu.dma_semaphore, #tpu.memory_space<semaphore_mem>>
            %dma_wait3A_305 = arith.constant 0 : i32
            %dma_wait3A_306 = arith.constant 0 : i32
            %dma_wait3A_307 = tpu.memref_slice %run_scoped3A[%rem3A_297, %dma_wait3A_305, %dma_wait3A_306] : memref<2x1x128xi32, #tpu.memory_space<vmem>> -> memref<1x1x128xi32, #tpu.memory_space<vmem>>
            %dma_wait3A_308 = tpu.memref_squeeze %dma_wait3A_307 : memref<1x1x128xi32, #tpu.memory_space<vmem>> -> memref<1x128xi32, #tpu.memory_space<vmem>>
            %dma_wait3A_309 = arith.constant 0 : i32
            %dma_wait3A_310 = tpu.memref_slice %arg3[%dma_wait3A_309, %mul3A_295] : memref<1x9216xi32, #tpu.memory_space<hbm>> -> memref<1x128xi32, #tpu.memory_space<hbm>>
            tpu.wait_dma2 semaphore(%dma_wait3A_304 : memref<!tpu.dma_semaphore, #tpu.memory_space<semaphore_mem>>) src(%dma_wait3A_310 : memref<1x128xi32, #tpu.memory_space<hbm>>) dst(%dma_wait3A_308 : memref<1x128xi32, #tpu.memory_space<vmem>>)
            "tpu.trace_stop"() : () -> ()
          } else {
          }
          %ne3A_216 = arith.cmpi ne, %add3A_155, %add3A_165 : i32
          %or3A_217 = arith.constant false
          %or3A_218 = arith.ori %or3A_217, %ne3A_216 : i1
          %or3A_219 = arith.constant false
          %or3A_220 = arith.ori %or3A_218, %or3A_219 : i1
          %or3A_221 = arith.ori %or3A_220, %eq3A_151 : i1
          %convert_element_type3A_222 = arith.extui %or3A_221 : i1 to i32
          %cond3A_223 = arith.constant 0 : i32
          %cond3A_224 = arith.cmpi ne, %convert_element_type3A_222, %cond3A_223 : i32
          scf.if %cond3A_224 {
          } else {
          }
          %rem3A_225 = arith.constant 2 : i32
          %rem3A_226 = arith.remui %while3A_144, %rem3A_225 : i32
          %rem3A_227 = arith.constant 2 : i32
          %rem3A_228 = arith.remui %while3A_145, %rem3A_227 : i32
          %run_scoped3A_229 = arith.constant 0 : i32
          "tpu.trace_start"() <{level = 10 : i32, message = "ep_run_kernel"}> : () -> ()
          "tpu.region"() ({
            %run_scoped3A_294 = tpu.sem_alloc : memref<!tpu.dma_semaphore, #tpu.memory_space<semaphore_mem>>
            %dma_start3A_295 = arith.constant 0 : i32
            %dma_start3A_296 = arith.constant 0 : i32
            %dma_start3A_297 = tpu.memref_slice %run_scoped3A_18[%rem3A_228, %dma_start3A_295, %dma_start3A_296] : memref<2x128x256xf32, #tpu.memory_space<vmem>> -> memref<1x128x256xf32, #tpu.memory_space<vmem>>
            %dma_start3A_298 = tpu.memref_squeeze %dma_start3A_297 : memref<1x128x256xf32, #tpu.memory_space<vmem>> -> memref<128x256xf32, #tpu.memory_space<vmem>>
            %dma_start3A_299 = arith.constant 0 : i32
            %dma_start3A_300 = arith.constant 0 : i32
            %dma_start3A_301 = tpu.memref_slice %run_scoped3A[%rem3A_226, %dma_start3A_299, %dma_start3A_300] : memref<2x1x128xi32, #tpu.memory_space<vmem>> -> memref<1x1x128xi32, #tpu.memory_space<vmem>>
            %dma_start3A_302 = tpu.memref_squeeze %dma_start3A_301 : memref<1x1x128xi32, #tpu.memory_space<vmem>> -> memref<1x128xi32, #tpu.memory_space<vmem>>
            %dma_start3A_303 = arith.constant 0 : i32
            %dma_start3A_304 = tpu.memref_slice %dma_start3A_302[%run_scoped3A_229, %dma_start3A_303] : memref<1x128xi32, #tpu.memory_space<vmem>> -> memref<1x128xi32, #tpu.memory_space<vmem>>
            %dma_start3A_305 = tpu.memref_squeeze %dma_start3A_304 : memref<1x128xi32, #tpu.memory_space<vmem>> -> memref<128xi32, #tpu.memory_space<vmem>>
            %dma_start3A_306 = arith.constant 0 : i32
            %dma_start3A_307 = arith.constant 0 : i32
            %dma_start3A_308 = tpu.memref_slice %arg2[%dma_start3A_306, %dma_start3A_307] : memref<8192x256xf32, #tpu.memory_space<hbm>> -> memref<8192x256xf32, #tpu.memory_space<hbm>>
            tpu.enqueue_indirect_dma source(%dma_start3A_308 : memref<8192x256xf32, #tpu.memory_space<hbm>>) target(%dma_start3A_298 : memref<128x256xf32, #tpu.memory_space<vmem>>) offsets(%dma_start3A_305 : memref<128xi32, #tpu.memory_space<vmem>>) semaphore(%run_scoped3A_294 : memref<!tpu.dma_semaphore, #tpu.memory_space<semaphore_mem>>)
            %dma_wait3A = arith.constant 0 : i32
            %dma_wait3A_309 = arith.constant 0 : i32
            %dma_wait3A_310 = tpu.memref_slice %run_scoped3A_18[%rem3A_228, %dma_wait3A, %dma_wait3A_309] : memref<2x128x256xf32, #tpu.memory_space<vmem>> -> memref<1x128x256xf32, #tpu.memory_space<vmem>>
            %dma_wait3A_311 = tpu.memref_squeeze %dma_wait3A_310 : memref<1x128x256xf32, #tpu.memory_space<vmem>> -> memref<128x256xf32, #tpu.memory_space<vmem>>
            %dma_wait3A_312 = arith.constant 0 : i32
            %dma_wait3A_313 = arith.constant 0 : i32
            %dma_wait3A_314 = tpu.memref_slice %run_scoped3A[%rem3A_226, %dma_wait3A_312, %dma_wait3A_313] : memref<2x1x128xi32, #tpu.memory_space<vmem>> -> memref<1x1x128xi32, #tpu.memory_space<vmem>>
            %dma_wait3A_315 = tpu.memref_squeeze %dma_wait3A_314 : memref<1x1x128xi32, #tpu.memory_space<vmem>> -> memref<1x128xi32, #tpu.memory_space<vmem>>
            %dma_wait3A_316 = arith.constant 0 : i32
            %dma_wait3A_317 = tpu.memref_slice %dma_wait3A_315[%run_scoped3A_229, %dma_wait3A_316] : memref<1x128xi32, #tpu.memory_space<vmem>> -> memref<1x128xi32, #tpu.memory_space<vmem>>
            %dma_wait3A_318 = tpu.memref_squeeze %dma_wait3A_317 : memref<1x128xi32, #tpu.memory_space<vmem>> -> memref<128xi32, #tpu.memory_space<vmem>>
            %dma_wait3A_319 = arith.constant 0 : i32
            %dma_wait3A_320 = arith.constant 0 : i32
            %dma_wait3A_321 = tpu.memref_slice %arg2[%dma_wait3A_319, %dma_wait3A_320] : memref<8192x256xf32, #tpu.memory_space<hbm>> -> memref<8192x256xf32, #tpu.memory_space<hbm>>
            tpu.wait_indirect_dma semaphore(%run_scoped3A_294 : memref<!tpu.dma_semaphore, #tpu.memory_space<semaphore_mem>>) src(%dma_wait3A_321 : memref<8192x256xf32, #tpu.memory_space<hbm>>) dst(%dma_wait3A_311 : memref<128x256xf32, #tpu.memory_space<vmem>>)
            tpu.yield
          }) : () -> ()
          "tpu.trace_stop"() : () -> ()
          %ne3A_230 = arith.cmpi ne, %add3A_155, %add3A_173 : i32
          %or3A_231 = arith.constant false
          %or3A_232 = arith.ori %or3A_231, %ne3A_230 : i1
          %or3A_233 = arith.ori %or3A_232, %eq3A_154 : i1
          %convert_element_type3A_234 = arith.extui %or3A_233 : i1 to i32
          %cond3A_235 = arith.constant 0 : i32
          %cond3A_236 = arith.cmpi ne, %convert_element_type3A_234, %cond3A_235 : i32
          scf.if %cond3A_236 {
          } else {
          }
          %and3A_237 = arith.constant false
          %and3A_238 = arith.andi %or3A_233, %and3A_237 : i1
          %ne3A_239 = arith.cmpi ne, %add3A_155, %add3A_173 : i32
          %or3A_240 = arith.constant false
          %or3A_241 = arith.ori %or3A_240, %ne3A_239 : i1
          %or3A_242 = arith.constant false
          %or3A_243 = arith.ori %or3A_241, %or3A_242 : i1
          %or3A_244 = arith.ori %or3A_243, %eq3A_154 : i1
          %convert_element_type3A_245 = arith.extui %or3A_244 : i1 to i32
          %cond3A_246 = arith.constant 0 : i32
          %cond3A_247 = arith.cmpi ne, %convert_element_type3A_245, %cond3A_246 : i32
          scf.if %cond3A_247 {
            "tpu.trace_start"() <{level = 10 : i32, message = "ep_copy_out"}> : () -> ()
            %rem3A_294 = arith.constant 2 : i32
            %rem3A_295 = arith.remui %while3A_145, %rem3A_294 : i32
            %mul3A_296 = arith.constant 128 : i32
            %mul3A_297 = arith.muli %mul3A_296, %add3A_155 : i32
            %dma_start3A_298 = arith.constant 0 : i32
            %dma_start3A_299 = arith.constant 0 : i32
            %dma_start3A_300 = tpu.memref_slice %run_scoped3A_18[%rem3A_295, %dma_start3A_298, %dma_start3A_299] : memref<2x128x256xf32, #tpu.memory_space<vmem>> -> memref<1x128x256xf32, #tpu.memory_space<vmem>>
            %dma_start3A_301 = tpu.memref_squeeze %dma_start3A_300 : memref<1x128x256xf32, #tpu.memory_space<vmem>> -> memref<128x256xf32, #tpu.memory_space<vmem>>
            %dma_start3A_302 = arith.constant 0 : i32
            %dma_start3A_303 = tpu.memref_slice %arg4[%mul3A_297, %dma_start3A_302] : memref<9216x256xf32, #tpu.memory_space<hbm>> -> memref<128x256xf32, #tpu.memory_space<hbm>>
            %dma_start3A_304 = tpu.memref_slice %run_scoped3A_19[%rem3A_295] : memref<2x!tpu.dma_semaphore, #tpu.memory_space<semaphore_mem>> -> memref<1x!tpu.dma_semaphore, #tpu.memory_space<semaphore_mem>>
            %dma_start3A_305 = tpu.memref_squeeze %dma_start3A_304 : memref<1x!tpu.dma_semaphore, #tpu.memory_space<semaphore_mem>> -> memref<!tpu.dma_semaphore, #tpu.memory_space<semaphore_mem>>
            %dma_start3A_306 = arith.constant 0 : i32
            %dma_start3A_307 = tpu.memref_slice %arg4[%mul3A_297, %dma_start3A_306] : memref<9216x256xf32, #tpu.memory_space<hbm>> -> memref<128x256xf32, #tpu.memory_space<hbm>>
            %dma_start3A_308 = arith.constant 0 : i32
            %dma_start3A_309 = arith.constant 0 : i32
            %dma_start3A_310 = tpu.memref_slice %run_scoped3A_18[%rem3A_295, %dma_start3A_308, %dma_start3A_309] : memref<2x128x256xf32, #tpu.memory_space<vmem>> -> memref<1x128x256xf32, #tpu.memory_space<vmem>>
            %dma_start3A_311 = tpu.memref_squeeze %dma_start3A_310 : memref<1x128x256xf32, #tpu.memory_space<vmem>> -> memref<128x256xf32, #tpu.memory_space<vmem>>
            tpu.enqueue_dma source(%dma_start3A_311 : memref<128x256xf32, #tpu.memory_space<vmem>>) target(%dma_start3A_307 : memref<128x256xf32, #tpu.memory_space<hbm>>) target_semaphore(%dma_start3A_305 : memref<!tpu.dma_semaphore, #tpu.memory_space<semaphore_mem>>)
            "tpu.trace_stop"() : () -> ()
          } else {
          }
          %and3A_248 = arith.constant true
          %and3A_249 = arith.andi %or3A_244, %and3A_248 : i1
          %add3A_250 = arith.constant 1 : i32
          %add3A_251 = arith.addi %while3A_145, %add3A_250 : i32
          %select_n3A_252 = arith.select %and3A_249, %add3A_251, %while3A_145 : i32
          %ne3A_253 = arith.cmpi ne, %add3A_155, %add3A_165 : i32
          %or3A_254 = arith.constant false
          %or3A_255 = arith.ori %or3A_254, %ne3A_253 : i1
          %not3A_256 = arith.constant true
          %not3A_257 = arith.xori %eq3A_151, %not3A_256 : i1
          %and3A_258 = arith.andi %or3A_255, %not3A_257 : i1
          %convert_element_type3A_259 = arith.extui %and3A_258 : i1 to i32
          %cond3A_260 = arith.constant 0 : i32
          %cond3A_261 = arith.cmpi ne, %convert_element_type3A_259, %cond3A_260 : i32
          scf.if %cond3A_261 {
          } else {
          }
          %and3A_262 = arith.constant false
          %and3A_263 = arith.andi %and3A_258, %and3A_262 : i1
          %ne3A_264 = arith.cmpi ne, %add3A_155, %add3A_165 : i32
          %or3A_265 = arith.constant false
          %or3A_266 = arith.ori %or3A_265, %ne3A_264 : i1
          %or3A_267 = arith.constant false
          %or3A_268 = arith.ori %or3A_266, %or3A_267 : i1
          %not3A_269 = arith.constant true
          %not3A_270 = arith.xori %eq3A_151, %not3A_269 : i1
          %and3A_271 = arith.andi %or3A_268, %not3A_270 : i1
          %convert_element_type3A_272 = arith.extui %and3A_271 : i1 to i32
          %cond3A_273 = arith.constant 0 : i32
          %cond3A_274 = arith.cmpi ne, %convert_element_type3A_272, %cond3A_273 : i32
          scf.if %cond3A_274 {
            "tpu.trace_start"() <{level = 10 : i32, message = "ep_wait_out"}> : () -> ()
            %rem3A_294 = arith.constant 2 : i32
            %rem3A_295 = arith.remui %while3A_146, %rem3A_294 : i32
            %mul3A_296 = arith.constant 128 : i32
            %mul3A_297 = arith.muli %mul3A_296, %add3A_165 : i32
            %dma_wait3A = arith.constant 0 : i32
            %dma_wait3A_298 = arith.constant 0 : i32
            %dma_wait3A_299 = tpu.memref_slice %run_scoped3A_18[%rem3A_295, %dma_wait3A, %dma_wait3A_298] : memref<2x128x256xf32, #tpu.memory_space<vmem>> -> memref<1x128x256xf32, #tpu.memory_space<vmem>>
            %dma_wait3A_300 = tpu.memref_squeeze %dma_wait3A_299 : memref<1x128x256xf32, #tpu.memory_space<vmem>> -> memref<128x256xf32, #tpu.memory_space<vmem>>
            %dma_wait3A_301 = arith.constant 0 : i32
            %dma_wait3A_302 = tpu.memref_slice %arg4[%mul3A_297, %dma_wait3A_301] : memref<9216x256xf32, #tpu.memory_space<hbm>> -> memref<128x256xf32, #tpu.memory_space<hbm>>
            %dma_wait3A_303 = tpu.memref_slice %run_scoped3A_19[%rem3A_295] : memref<2x!tpu.dma_semaphore, #tpu.memory_space<semaphore_mem>> -> memref<1x!tpu.dma_semaphore, #tpu.memory_space<semaphore_mem>>
            %dma_wait3A_304 = tpu.memref_squeeze %dma_wait3A_303 : memref<1x!tpu.dma_semaphore, #tpu.memory_space<semaphore_mem>> -> memref<!tpu.dma_semaphore, #tpu.memory_space<semaphore_mem>>
            %dma_wait3A_305 = arith.constant 0 : i32
            %dma_wait3A_306 = tpu.memref_slice %arg4[%mul3A_297, %dma_wait3A_305] : memref<9216x256xf32, #tpu.memory_space<hbm>> -> memref<128x256xf32, #tpu.memory_space<hbm>>
            %dma_wait3A_307 = arith.constant 0 : i32
            %dma_wait3A_308 = arith.constant 0 : i32
            %dma_wait3A_309 = tpu.memref_slice %run_scoped3A_18[%rem3A_295, %dma_wait3A_307, %dma_wait3A_308] : memref<2x128x256xf32, #tpu.memory_space<vmem>> -> memref<1x128x256xf32, #tpu.memory_space<vmem>>
            %dma_wait3A_310 = tpu.memref_squeeze %dma_wait3A_309 : memref<1x128x256xf32, #tpu.memory_space<vmem>> -> memref<128x256xf32, #tpu.memory_space<vmem>>
            tpu.wait_dma2 semaphore(%dma_wait3A_304 : memref<!tpu.dma_semaphore, #tpu.memory_space<semaphore_mem>>) src(%dma_wait3A_310 : memref<128x256xf32, #tpu.memory_space<vmem>>) dst(%dma_wait3A_306 : memref<128x256xf32, #tpu.memory_space<hbm>>)
            "tpu.trace_stop"() : () -> ()
          } else {
          }
          %and3A_275 = arith.constant true
          %and3A_276 = arith.andi %and3A_271, %and3A_275 : i1
          %add3A_277 = arith.constant 1 : i32
          %add3A_278 = arith.addi %while3A_146, %add3A_277 : i32
          %select_n3A_279 = arith.select %and3A_276, %add3A_278, %while3A_146 : i32
          %ne3A_280 = arith.cmpi ne, %add3A_155, %add3A_173 : i32
          %or3A_281 = arith.constant false
          %or3A_282 = arith.ori %or3A_281, %ne3A_280 : i1
          %or3A_283 = arith.ori %or3A_282, %eq3A_154 : i1
          %add3A_284 = arith.constant 1 : i32
          %add3A_285 = arith.addi %while3A_144, %add3A_284 : i32
          %select_n3A_286 = arith.select %or3A_283, %add3A_285, %while3A_144 : i32
          %add3A_287 = arith.constant 1 : i32
          %add3A_288 = arith.addi %while3A_147, %add3A_287 : i32
          %select_n3A_289 = arith.constant true
          %select_n3A_290 = arith.select %select_n3A_289, %add3A_288, %while3A_147 : i32
          %eq3A_291 = arith.cmpi eq, %select_n3A_290, %select_n3A : i32
          %select_n3A_292 = arith.constant 0 : i32
          %select_n3A_293 = arith.select %eq3A_291, %select_n3A_292, %select_n3A_290 : i32
          scf.yield %select_n3A_195, %select_n3A_286, %select_n3A_252, %select_n3A_279, %select_n3A_293 : i32, i32, i32, i32, i32
        }
        %while3A_89 = arith.constant 1 : i32
        %while3A_90:5 = scf.for %while3A_142 = %while3A_86 to %while3A_82 step %while3A_89 iter_args(%while3A_143 = %while3A_88#0, %while3A_144 = %while3A_88#1, %while3A_145 = %while3A_88#2, %while3A_146 = %while3A_88#3, %while3A_147 = %while3A_88#4) -> (i32, i32, i32, i32, i32)  : i32 {
          %mul3A_148 = arith.constant 1 : i32
          %mul3A_149 = arith.muli %mul3A_148, %select_n3A : i32
          %eq3A_150 = arith.constant 0 : i32
          %eq3A_151 = arith.cmpi eq, %while3A_142, %eq3A_150 : i32
          %sub3A_152 = arith.constant 1 : i32
          %sub3A_153 = arith.subi %mul3A_149, %sub3A_152 : i32
          %eq3A_154 = arith.cmpi eq, %while3A_142, %sub3A_153 : i32
          %add3A_155 = arith.addi %while3A_147, %select_n3A_14 : i32
          %sub3A_156 = arith.constant 1 : i32
          %sub3A_157 = arith.subi %while3A_147, %sub3A_156 : i32
          %select_n3A_158 = arith.constant true
          %select_n3A_159 = arith.select %select_n3A_158, %sub3A_157, %while3A_147 : i32
          %eq3A_160 = arith.constant -1 : i32
          %eq3A_161 = arith.cmpi eq, %select_n3A_159, %eq3A_160 : i32
          %sub3A_162 = arith.constant 1 : i32
          %sub3A_163 = arith.subi %select_n3A, %sub3A_162 : i32
          %select_n3A_164 = arith.select %eq3A_161, %sub3A_163, %select_n3A_159 : i32
          %add3A_165 = arith.addi %select_n3A_164, %select_n3A_14 : i32
          %add3A_166 = arith.constant 1 : i32
          %add3A_167 = arith.addi %while3A_147, %add3A_166 : i32
          %select_n3A_168 = arith.constant true
          %select_n3A_169 = arith.select %select_n3A_168, %add3A_167, %while3A_147 : i32
          %eq3A_170 = arith.cmpi eq, %select_n3A_169, %select_n3A : i32
          %select_n3A_171 = arith.constant 0 : i32
          %select_n3A_172 = arith.select %eq3A_170, %select_n3A_171, %select_n3A_169 : i32
          %add3A_173 = arith.addi %select_n3A_172, %select_n3A_14 : i32
          %add3A_174 = arith.constant 1 : i32
          %add3A_175 = arith.addi %select_n3A_172, %add3A_174 : i32
          %select_n3A_176 = arith.constant true
          %select_n3A_177 = arith.select %select_n3A_176, %add3A_175, %select_n3A_172 : i32
          %eq3A_178 = arith.cmpi eq, %select_n3A_177, %select_n3A : i32
          %select_n3A_179 = arith.constant 0 : i32
          %select_n3A_180 = arith.select %eq3A_178, %select_n3A_179, %select_n3A_177 : i32
          %add3A_181 = arith.addi %select_n3A_180, %select_n3A_14 : i32
          %ne3A = arith.cmpi ne, %add3A_155, %add3A_173 : i32
          %or3A = arith.constant false
          %or3A_182 = arith.ori %or3A, %ne3A : i1
          %sub3A_183 = arith.constant 2 : i32
          %sub3A_184 = arith.subi %mul3A_149, %sub3A_183 : i32
          %add3A_185 = arith.constant 1 : i32
          %add3A_186 = arith.addi %sub3A_184, %add3A_185 : i32
          %ge3A = arith.cmpi sge, %while3A_142, %add3A_186 : i32
          %not3A = arith.constant true
          %not3A_187 = arith.xori %ge3A, %not3A : i1
          %and3A = arith.andi %or3A_182, %not3A_187 : i1
          %convert_element_type3A_188 = arith.extui %and3A : i1 to i32
          %cond3A_189 = arith.constant 0 : i32
          %cond3A_190 = arith.cmpi ne, %convert_element_type3A_188, %cond3A_189 : i32
          scf.if %cond3A_190 {
            "tpu.trace_start"() <{level = 10 : i32, message = "ep_copy_in"}> : () -> ()
            %rem3A_294 = arith.constant 2 : i32
            %rem3A_295 = arith.remui %while3A_143, %rem3A_294 : i32
            %mul3A_296 = arith.constant 128 : i32
            %mul3A_297 = arith.muli %mul3A_296, %add3A_173 : i32
            %dma_start3A_298 = arith.constant 0 : i32
            %dma_start3A_299 = arith.constant 0 : i32
            %dma_start3A_300 = tpu.memref_slice %run_scoped3A[%rem3A_295, %dma_start3A_298, %dma_start3A_299] : memref<2x1x128xi32, #tpu.memory_space<vmem>> -> memref<1x1x128xi32, #tpu.memory_space<vmem>>
            %dma_start3A_301 = tpu.memref_squeeze %dma_start3A_300 : memref<1x1x128xi32, #tpu.memory_space<vmem>> -> memref<1x128xi32, #tpu.memory_space<vmem>>
            %dma_start3A_302 = arith.constant 0 : i32
            %dma_start3A_303 = tpu.memref_slice %arg3[%dma_start3A_302, %mul3A_297] : memref<1x9216xi32, #tpu.memory_space<hbm>> -> memref<1x128xi32, #tpu.memory_space<hbm>>
            %dma_start3A_304 = tpu.memref_slice %run_scoped3A_17[%rem3A_295] : memref<2x!tpu.dma_semaphore, #tpu.memory_space<semaphore_mem>> -> memref<1x!tpu.dma_semaphore, #tpu.memory_space<semaphore_mem>>
            %dma_start3A_305 = tpu.memref_squeeze %dma_start3A_304 : memref<1x!tpu.dma_semaphore, #tpu.memory_space<semaphore_mem>> -> memref<!tpu.dma_semaphore, #tpu.memory_space<semaphore_mem>>
            %dma_start3A_306 = arith.constant 0 : i32
            %dma_start3A_307 = arith.constant 0 : i32
            %dma_start3A_308 = tpu.memref_slice %run_scoped3A[%rem3A_295, %dma_start3A_306, %dma_start3A_307] : memref<2x1x128xi32, #tpu.memory_space<vmem>> -> memref<1x1x128xi32, #tpu.memory_space<vmem>>
            %dma_start3A_309 = tpu.memref_squeeze %dma_start3A_308 : memref<1x1x128xi32, #tpu.memory_space<vmem>> -> memref<1x128xi32, #tpu.memory_space<vmem>>
            %dma_start3A_310 = arith.constant 0 : i32
            %dma_start3A_311 = tpu.memref_slice %arg3[%dma_start3A_310, %mul3A_297] : memref<1x9216xi32, #tpu.memory_space<hbm>> -> memref<1x128xi32, #tpu.memory_space<hbm>>
            tpu.enqueue_dma source(%dma_start3A_311 : memref<1x128xi32, #tpu.memory_space<hbm>>) target(%dma_start3A_309 : memref<1x128xi32, #tpu.memory_space<vmem>>) target_semaphore(%dma_start3A_305 : memref<!tpu.dma_semaphore, #tpu.memory_space<semaphore_mem>>)
            "tpu.trace_stop"() : () -> ()
          } else {
          }
          %and3A_191 = arith.constant true
          %and3A_192 = arith.andi %and3A, %and3A_191 : i1
          %add3A_193 = arith.constant 1 : i32
          %add3A_194 = arith.addi %while3A_143, %add3A_193 : i32
          %select_n3A_195 = arith.select %and3A_192, %add3A_194, %while3A_143 : i32
          %ne3A_196 = arith.cmpi ne, %add3A_155, %add3A_173 : i32
          %or3A_197 = arith.constant false
          %or3A_198 = arith.ori %or3A_197, %ne3A_196 : i1
          %or3A_199 = arith.constant false
          %or3A_200 = arith.ori %or3A_198, %or3A_199 : i1
          %sub3A_201 = arith.constant 2 : i32
          %sub3A_202 = arith.subi %mul3A_149, %sub3A_201 : i32
          %add3A_203 = arith.constant 1 : i32
          %add3A_204 = arith.addi %sub3A_202, %add3A_203 : i32
          %ge3A_205 = arith.cmpi sge, %while3A_142, %add3A_204 : i32
          %not3A_206 = arith.constant true
          %not3A_207 = arith.xori %ge3A_205, %not3A_206 : i1
          %and3A_208 = arith.andi %or3A_200, %not3A_207 : i1
          %ne3A_209 = arith.cmpi ne, %add3A_155, %add3A_165 : i32
          %or3A_210 = arith.constant false
          %or3A_211 = arith.ori %or3A_210, %ne3A_209 : i1
          %or3A_212 = arith.ori %or3A_211, %eq3A_151 : i1
          %convert_element_type3A_213 = arith.extui %or3A_212 : i1 to i32
          %cond3A_214 = arith.constant 0 : i32
          %cond3A_215 = arith.cmpi ne, %convert_element_type3A_213, %cond3A_214 : i32
          scf.if %cond3A_215 {
            "tpu.trace_start"() <{level = 10 : i32, message = "ep_wait_in"}> : () -> ()
            %mul3A_294 = arith.constant 128 : i32
            %mul3A_295 = arith.muli %mul3A_294, %add3A_155 : i32
            %rem3A_296 = arith.constant 2 : i32
            %rem3A_297 = arith.remui %while3A_144, %rem3A_296 : i32
            %dma_wait3A = arith.constant 0 : i32
            %dma_wait3A_298 = arith.constant 0 : i32
            %dma_wait3A_299 = tpu.memref_slice %run_scoped3A[%rem3A_297, %dma_wait3A, %dma_wait3A_298] : memref<2x1x128xi32, #tpu.memory_space<vmem>> -> memref<1x1x128xi32, #tpu.memory_space<vmem>>
            %dma_wait3A_300 = tpu.memref_squeeze %dma_wait3A_299 : memref<1x1x128xi32, #tpu.memory_space<vmem>> -> memref<1x128xi32, #tpu.memory_space<vmem>>
            %dma_wait3A_301 = arith.constant 0 : i32
            %dma_wait3A_302 = tpu.memref_slice %arg3[%dma_wait3A_301, %mul3A_295] : memref<1x9216xi32, #tpu.memory_space<hbm>> -> memref<1x128xi32, #tpu.memory_space<hbm>>
            %dma_wait3A_303 = tpu.memref_slice %run_scoped3A_17[%rem3A_297] : memref<2x!tpu.dma_semaphore, #tpu.memory_space<semaphore_mem>> -> memref<1x!tpu.dma_semaphore, #tpu.memory_space<semaphore_mem>>
            %dma_wait3A_304 = tpu.memref_squeeze %dma_wait3A_303 : memref<1x!tpu.dma_semaphore, #tpu.memory_space<semaphore_mem>> -> memref<!tpu.dma_semaphore, #tpu.memory_space<semaphore_mem>>
            %dma_wait3A_305 = arith.constant 0 : i32
            %dma_wait3A_306 = arith.constant 0 : i32
            %dma_wait3A_307 = tpu.memref_slice %run_scoped3A[%rem3A_297, %dma_wait3A_305, %dma_wait3A_306] : memref<2x1x128xi32, #tpu.memory_space<vmem>> -> memref<1x1x128xi32, #tpu.memory_space<vmem>>
            %dma_wait3A_308 = tpu.memref_squeeze %dma_wait3A_307 : memref<1x1x128xi32, #tpu.memory_space<vmem>> -> memref<1x128xi32, #tpu.memory_space<vmem>>
            %dma_wait3A_309 = arith.constant 0 : i32
            %dma_wait3A_310 = tpu.memref_slice %arg3[%dma_wait3A_309, %mul3A_295] : memref<1x9216xi32, #tpu.memory_space<hbm>> -> memref<1x128xi32, #tpu.memory_space<hbm>>
            tpu.wait_dma2 semaphore(%dma_wait3A_304 : memref<!tpu.dma_semaphore, #tpu.memory_space<semaphore_mem>>) src(%dma_wait3A_310 : memref<1x128xi32, #tpu.memory_space<hbm>>) dst(%dma_wait3A_308 : memref<1x128xi32, #tpu.memory_space<vmem>>)
            "tpu.trace_stop"() : () -> ()
          } else {
          }
          %ne3A_216 = arith.cmpi ne, %add3A_155, %add3A_165 : i32
          %or3A_217 = arith.constant false
          %or3A_218 = arith.ori %or3A_217, %ne3A_216 : i1
          %or3A_219 = arith.constant false
          %or3A_220 = arith.ori %or3A_218, %or3A_219 : i1
          %or3A_221 = arith.ori %or3A_220, %eq3A_151 : i1
          %convert_element_type3A_222 = arith.extui %or3A_221 : i1 to i32
          %cond3A_223 = arith.constant 0 : i32
          %cond3A_224 = arith.cmpi ne, %convert_element_type3A_222, %cond3A_223 : i32
          scf.if %cond3A_224 {
          } else {
          }
          %rem3A_225 = arith.constant 2 : i32
          %rem3A_226 = arith.remui %while3A_144, %rem3A_225 : i32
          %rem3A_227 = arith.constant 2 : i32
          %rem3A_228 = arith.remui %while3A_145, %rem3A_227 : i32
          %run_scoped3A_229 = arith.constant 0 : i32
          "tpu.trace_start"() <{level = 10 : i32, message = "ep_run_kernel"}> : () -> ()
          "tpu.region"() ({
            %run_scoped3A_294 = tpu.sem_alloc : memref<!tpu.dma_semaphore, #tpu.memory_space<semaphore_mem>>
            %dma_start3A_295 = arith.constant 0 : i32
            %dma_start3A_296 = arith.constant 0 : i32
            %dma_start3A_297 = tpu.memref_slice %run_scoped3A_18[%rem3A_228, %dma_start3A_295, %dma_start3A_296] : memref<2x128x256xf32, #tpu.memory_space<vmem>> -> memref<1x128x256xf32, #tpu.memory_space<vmem>>
            %dma_start3A_298 = tpu.memref_squeeze %dma_start3A_297 : memref<1x128x256xf32, #tpu.memory_space<vmem>> -> memref<128x256xf32, #tpu.memory_space<vmem>>
            %dma_start3A_299 = arith.constant 0 : i32
            %dma_start3A_300 = arith.constant 0 : i32
            %dma_start3A_301 = tpu.memref_slice %run_scoped3A[%rem3A_226, %dma_start3A_299, %dma_start3A_300] : memref<2x1x128xi32, #tpu.memory_space<vmem>> -> memref<1x1x128xi32, #tpu.memory_space<vmem>>
            %dma_start3A_302 = tpu.memref_squeeze %dma_start3A_301 : memref<1x1x128xi32, #tpu.memory_space<vmem>> -> memref<1x128xi32, #tpu.memory_space<vmem>>
            %dma_start3A_303 = arith.constant 0 : i32
            %dma_start3A_304 = tpu.memref_slice %dma_start3A_302[%run_scoped3A_229, %dma_start3A_303] : memref<1x128xi32, #tpu.memory_space<vmem>> -> memref<1x128xi32, #tpu.memory_space<vmem>>
            %dma_start3A_305 = tpu.memref_squeeze %dma_start3A_304 : memref<1x128xi32, #tpu.memory_space<vmem>> -> memref<128xi32, #tpu.memory_space<vmem>>
            %dma_start3A_306 = arith.constant 0 : i32
            %dma_start3A_307 = arith.constant 0 : i32
            %dma_start3A_308 = tpu.memref_slice %arg2[%dma_start3A_306, %dma_start3A_307] : memref<8192x256xf32, #tpu.memory_space<hbm>> -> memref<8192x256xf32, #tpu.memory_space<hbm>>
            tpu.enqueue_indirect_dma source(%dma_start3A_308 : memref<8192x256xf32, #tpu.memory_space<hbm>>) target(%dma_start3A_298 : memref<128x256xf32, #tpu.memory_space<vmem>>) offsets(%dma_start3A_305 : memref<128xi32, #tpu.memory_space<vmem>>) semaphore(%run_scoped3A_294 : memref<!tpu.dma_semaphore, #tpu.memory_space<semaphore_mem>>)
            %dma_wait3A = arith.constant 0 : i32
            %dma_wait3A_309 = arith.constant 0 : i32
            %dma_wait3A_310 = tpu.memref_slice %run_scoped3A_18[%rem3A_228, %dma_wait3A, %dma_wait3A_309] : memref<2x128x256xf32, #tpu.memory_space<vmem>> -> memref<1x128x256xf32, #tpu.memory_space<vmem>>
            %dma_wait3A_311 = tpu.memref_squeeze %dma_wait3A_310 : memref<1x128x256xf32, #tpu.memory_space<vmem>> -> memref<128x256xf32, #tpu.memory_space<vmem>>
            %dma_wait3A_312 = arith.constant 0 : i32
            %dma_wait3A_313 = arith.constant 0 : i32
            %dma_wait3A_314 = tpu.memref_slice %run_scoped3A[%rem3A_226, %dma_wait3A_312, %dma_wait3A_313] : memref<2x1x128xi32, #tpu.memory_space<vmem>> -> memref<1x1x128xi32, #tpu.memory_space<vmem>>
            %dma_wait3A_315 = tpu.memref_squeeze %dma_wait3A_314 : memref<1x1x128xi32, #tpu.memory_space<vmem>> -> memref<1x128xi32, #tpu.memory_space<vmem>>
            %dma_wait3A_316 = arith.constant 0 : i32
            %dma_wait3A_317 = tpu.memref_slice %dma_wait3A_315[%run_scoped3A_229, %dma_wait3A_316] : memref<1x128xi32, #tpu.memory_space<vmem>> -> memref<1x128xi32, #tpu.memory_space<vmem>>
            %dma_wait3A_318 = tpu.memref_squeeze %dma_wait3A_317 : memref<1x128xi32, #tpu.memory_space<vmem>> -> memref<128xi32, #tpu.memory_space<vmem>>
            %dma_wait3A_319 = arith.constant 0 : i32
            %dma_wait3A_320 = arith.constant 0 : i32
            %dma_wait3A_321 = tpu.memref_slice %arg2[%dma_wait3A_319, %dma_wait3A_320] : memref<8192x256xf32, #tpu.memory_space<hbm>> -> memref<8192x256xf32, #tpu.memory_space<hbm>>
            tpu.wait_indirect_dma semaphore(%run_scoped3A_294 : memref<!tpu.dma_semaphore, #tpu.memory_space<semaphore_mem>>) src(%dma_wait3A_321 : memref<8192x256xf32, #tpu.memory_space<hbm>>) dst(%dma_wait3A_311 : memref<128x256xf32, #tpu.memory_space<vmem>>)
            tpu.yield
          }) : () -> ()
          "tpu.trace_stop"() : () -> ()
          %ne3A_230 = arith.cmpi ne, %add3A_155, %add3A_173 : i32
          %or3A_231 = arith.constant false
          %or3A_232 = arith.ori %or3A_231, %ne3A_230 : i1
          %or3A_233 = arith.ori %or3A_232, %eq3A_154 : i1
          %convert_element_type3A_234 = arith.extui %or3A_233 : i1 to i32
          %cond3A_235 = arith.constant 0 : i32
          %cond3A_236 = arith.cmpi ne, %convert_element_type3A_234, %cond3A_235 : i32
          scf.if %cond3A_236 {
          } else {
          }
          %and3A_237 = arith.constant false
          %and3A_238 = arith.andi %or3A_233, %and3A_237 : i1
          %ne3A_239 = arith.cmpi ne, %add3A_155, %add3A_173 : i32
          %or3A_240 = arith.constant false
          %or3A_241 = arith.ori %or3A_240, %ne3A_239 : i1
          %or3A_242 = arith.constant false
          %or3A_243 = arith.ori %or3A_241, %or3A_242 : i1
          %or3A_244 = arith.ori %or3A_243, %eq3A_154 : i1
          %convert_element_type3A_245 = arith.extui %or3A_244 : i1 to i32
          %cond3A_246 = arith.constant 0 : i32
          %cond3A_247 = arith.cmpi ne, %convert_element_type3A_245, %cond3A_246 : i32
          scf.if %cond3A_247 {
            "tpu.trace_start"() <{level = 10 : i32, message = "ep_copy_out"}> : () -> ()
            %rem3A_294 = arith.constant 2 : i32
            %rem3A_295 = arith.remui %while3A_145, %rem3A_294 : i32
            %mul3A_296 = arith.constant 128 : i32
            %mul3A_297 = arith.muli %mul3A_296, %add3A_155 : i32
            %dma_start3A_298 = arith.constant 0 : i32
            %dma_start3A_299 = arith.constant 0 : i32
            %dma_start3A_300 = tpu.memref_slice %run_scoped3A_18[%rem3A_295, %dma_start3A_298, %dma_start3A_299] : memref<2x128x256xf32, #tpu.memory_space<vmem>> -> memref<1x128x256xf32, #tpu.memory_space<vmem>>
            %dma_start3A_301 = tpu.memref_squeeze %dma_start3A_300 : memref<1x128x256xf32, #tpu.memory_space<vmem>> -> memref<128x256xf32, #tpu.memory_space<vmem>>
            %dma_start3A_302 = arith.constant 0 : i32
            %dma_start3A_303 = tpu.memref_slice %arg4[%mul3A_297, %dma_start3A_302] : memref<9216x256xf32, #tpu.memory_space<hbm>> -> memref<128x256xf32, #tpu.memory_space<hbm>>
            %dma_start3A_304 = tpu.memref_slice %run_scoped3A_19[%rem3A_295] : memref<2x!tpu.dma_semaphore, #tpu.memory_space<semaphore_mem>> -> memref<1x!tpu.dma_semaphore, #tpu.memory_space<semaphore_mem>>
            %dma_start3A_305 = tpu.memref_squeeze %dma_start3A_304 : memref<1x!tpu.dma_semaphore, #tpu.memory_space<semaphore_mem>> -> memref<!tpu.dma_semaphore, #tpu.memory_space<semaphore_mem>>
            %dma_start3A_306 = arith.constant 0 : i32
            %dma_start3A_307 = tpu.memref_slice %arg4[%mul3A_297, %dma_start3A_306] : memref<9216x256xf32, #tpu.memory_space<hbm>> -> memref<128x256xf32, #tpu.memory_space<hbm>>
            %dma_start3A_308 = arith.constant 0 : i32
            %dma_start3A_309 = arith.constant 0 : i32
            %dma_start3A_310 = tpu.memref_slice %run_scoped3A_18[%rem3A_295, %dma_start3A_308, %dma_start3A_309] : memref<2x128x256xf32, #tpu.memory_space<vmem>> -> memref<1x128x256xf32, #tpu.memory_space<vmem>>
            %dma_start3A_311 = tpu.memref_squeeze %dma_start3A_310 : memref<1x128x256xf32, #tpu.memory_space<vmem>> -> memref<128x256xf32, #tpu.memory_space<vmem>>
            tpu.enqueue_dma source(%dma_start3A_311 : memref<128x256xf32, #tpu.memory_space<vmem>>) target(%dma_start3A_307 : memref<128x256xf32, #tpu.memory_space<hbm>>) target_semaphore(%dma_start3A_305 : memref<!tpu.dma_semaphore, #tpu.memory_space<semaphore_mem>>)
            "tpu.trace_stop"() : () -> ()
          } else {
          }
          %and3A_248 = arith.constant true
          %and3A_249 = arith.andi %or3A_244, %and3A_248 : i1
          %add3A_250 = arith.constant 1 : i32
          %add3A_251 = arith.addi %while3A_145, %add3A_250 : i32
          %select_n3A_252 = arith.select %and3A_249, %add3A_251, %while3A_145 : i32
          %ne3A_253 = arith.cmpi ne, %add3A_155, %add3A_165 : i32
          %or3A_254 = arith.constant false
          %or3A_255 = arith.ori %or3A_254, %ne3A_253 : i1
          %not3A_256 = arith.constant true
          %not3A_257 = arith.xori %eq3A_151, %not3A_256 : i1
          %and3A_258 = arith.andi %or3A_255, %not3A_257 : i1
          %convert_element_type3A_259 = arith.extui %and3A_258 : i1 to i32
          %cond3A_260 = arith.constant 0 : i32
          %cond3A_261 = arith.cmpi ne, %convert_element_type3A_259, %cond3A_260 : i32
          scf.if %cond3A_261 {
          } else {
          }
          %and3A_262 = arith.constant false
          %and3A_263 = arith.andi %and3A_258, %and3A_262 : i1
          %ne3A_264 = arith.cmpi ne, %add3A_155, %add3A_165 : i32
          %or3A_265 = arith.constant false
          %or3A_266 = arith.ori %or3A_265, %ne3A_264 : i1
          %or3A_267 = arith.constant false
          %or3A_268 = arith.ori %or3A_266, %or3A_267 : i1
          %not3A_269 = arith.constant true
          %not3A_270 = arith.xori %eq3A_151, %not3A_269 : i1
          %and3A_271 = arith.andi %or3A_268, %not3A_270 : i1
          %convert_element_type3A_272 = arith.extui %and3A_271 : i1 to i32
          %cond3A_273 = arith.constant 0 : i32
          %cond3A_274 = arith.cmpi ne, %convert_element_type3A_272, %cond3A_273 : i32
          scf.if %cond3A_274 {
            "tpu.trace_start"() <{level = 10 : i32, message = "ep_wait_out"}> : () -> ()
            %rem3A_294 = arith.constant 2 : i32
            %rem3A_295 = arith.remui %while3A_146, %rem3A_294 : i32
            %mul3A_296 = arith.constant 128 : i32
            %mul3A_297 = arith.muli %mul3A_296, %add3A_165 : i32
            %dma_wait3A = arith.constant 0 : i32
            %dma_wait3A_298 = arith.constant 0 : i32
            %dma_wait3A_299 = tpu.memref_slice %run_scoped3A_18[%rem3A_295, %dma_wait3A, %dma_wait3A_298] : memref<2x128x256xf32, #tpu.memory_space<vmem>> -> memref<1x128x256xf32, #tpu.memory_space<vmem>>
            %dma_wait3A_300 = tpu.memref_squeeze %dma_wait3A_299 : memref<1x128x256xf32, #tpu.memory_space<vmem>> -> memref<128x256xf32, #tpu.memory_space<vmem>>
            %dma_wait3A_301 = arith.constant 0 : i32
            %dma_wait3A_302 = tpu.memref_slice %arg4[%mul3A_297, %dma_wait3A_301] : memref<9216x256xf32, #tpu.memory_space<hbm>> -> memref<128x256xf32, #tpu.memory_space<hbm>>
            %dma_wait3A_303 = tpu.memref_slice %run_scoped3A_19[%rem3A_295] : memref<2x!tpu.dma_semaphore, #tpu.memory_space<semaphore_mem>> -> memref<1x!tpu.dma_semaphore, #tpu.memory_space<semaphore_mem>>
            %dma_wait3A_304 = tpu.memref_squeeze %dma_wait3A_303 : memref<1x!tpu.dma_semaphore, #tpu.memory_space<semaphore_mem>> -> memref<!tpu.dma_semaphore, #tpu.memory_space<semaphore_mem>>
            %dma_wait3A_305 = arith.constant 0 : i32
            %dma_wait3A_306 = tpu.memref_slice %arg4[%mul3A_297, %dma_wait3A_305] : memref<9216x256xf32, #tpu.memory_space<hbm>> -> memref<128x256xf32, #tpu.memory_space<hbm>>
            %dma_wait3A_307 = arith.constant 0 : i32
            %dma_wait3A_308 = arith.constant 0 : i32
            %dma_wait3A_309 = tpu.memref_slice %run_scoped3A_18[%rem3A_295, %dma_wait3A_307, %dma_wait3A_308] : memref<2x128x256xf32, #tpu.memory_space<vmem>> -> memref<1x128x256xf32, #tpu.memory_space<vmem>>
            %dma_wait3A_310 = tpu.memref_squeeze %dma_wait3A_309 : memref<1x128x256xf32, #tpu.memory_space<vmem>> -> memref<128x256xf32, #tpu.memory_space<vmem>>
            tpu.wait_dma2 semaphore(%dma_wait3A_304 : memref<!tpu.dma_semaphore, #tpu.memory_space<semaphore_mem>>) src(%dma_wait3A_310 : memref<128x256xf32, #tpu.memory_space<vmem>>) dst(%dma_wait3A_306 : memref<128x256xf32, #tpu.memory_space<hbm>>)
            "tpu.trace_stop"() : () -> ()
          } else {
          }
          %and3A_275 = arith.constant true
          %and3A_276 = arith.andi %and3A_271, %and3A_275 : i1
          %add3A_277 = arith.constant 1 : i32
          %add3A_278 = arith.addi %while3A_146, %add3A_277 : i32
          %select_n3A_279 = arith.select %and3A_276, %add3A_278, %while3A_146 : i32
          %ne3A_280 = arith.cmpi ne, %add3A_155, %add3A_173 : i32
          %or3A_281 = arith.constant false
          %or3A_282 = arith.ori %or3A_281, %ne3A_280 : i1
          %or3A_283 = arith.ori %or3A_282, %eq3A_154 : i1
          %add3A_284 = arith.constant 1 : i32
          %add3A_285 = arith.addi %while3A_144, %add3A_284 : i32
          %select_n3A_286 = arith.select %or3A_283, %add3A_285, %while3A_144 : i32
          %add3A_287 = arith.constant 1 : i32
          %add3A_288 = arith.addi %while3A_147, %add3A_287 : i32
          %select_n3A_289 = arith.constant true
          %select_n3A_290 = arith.select %select_n3A_289, %add3A_288, %while3A_147 : i32
          %eq3A_291 = arith.cmpi eq, %select_n3A_290, %select_n3A : i32
          %select_n3A_292 = arith.constant 0 : i32
          %select_n3A_293 = arith.select %eq3A_291, %select_n3A_292, %select_n3A_290 : i32
          scf.yield %select_n3A_195, %select_n3A_286, %select_n3A_252, %select_n3A_279, %select_n3A_293 : i32, i32, i32, i32, i32
        }
        %sub3A_91 = arith.constant 1 : i32
        %sub3A_92 = arith.subi %while3A_90#4, %sub3A_91 : i32
        %select_n3A_93 = arith.constant true
        %select_n3A_94 = arith.select %select_n3A_93, %sub3A_92, %while3A_90#4 : i32
        %eq3A_95 = arith.constant -1 : i32
        %eq3A_96 = arith.cmpi eq, %select_n3A_94, %eq3A_95 : i32
        %sub3A_97 = arith.constant 1 : i32
        %sub3A_98 = arith.subi %select_n3A, %sub3A_97 : i32
        %select_n3A_99 = arith.select %eq3A_96, %sub3A_98, %select_n3A_94 : i32
        %sub3A_100 = arith.constant 1 : i32
        %sub3A_101 = arith.subi %mul3A_16, %sub3A_100 : i32
        %mul3A_102 = arith.constant 1 : i32
        %mul3A_103 = arith.muli %mul3A_102, %select_n3A : i32
        %eq3A_104 = arith.constant 0 : i32
        %eq3A_105 = arith.cmpi eq, %sub3A_101, %eq3A_104 : i32
        %sub3A_106 = arith.constant 1 : i32
        %sub3A_107 = arith.subi %mul3A_103, %sub3A_106 : i32
        %eq3A_108 = arith.cmpi eq, %sub3A_101, %sub3A_107 : i32
        %add3A_109 = arith.addi %select_n3A_99, %select_n3A_14 : i32
        %sub3A_110 = arith.constant 1 : i32
        %sub3A_111 = arith.subi %select_n3A_99, %sub3A_110 : i32
        %select_n3A_112 = arith.constant true
        %select_n3A_113 = arith.select %select_n3A_112, %sub3A_111, %select_n3A_99 : i32
        %eq3A_114 = arith.constant -1 : i32
        %eq3A_115 = arith.cmpi eq, %select_n3A_113, %eq3A_114 : i32
        %sub3A_116 = arith.constant 1 : i32
        %sub3A_117 = arith.subi %select_n3A, %sub3A_116 : i32
        %select_n3A_118 = arith.select %eq3A_115, %sub3A_117, %select_n3A_113 : i32
        %add3A_119 = arith.addi %select_n3A_118, %select_n3A_14 : i32
        %add3A_120 = arith.constant 1 : i32
        %add3A_121 = arith.addi %select_n3A_99, %add3A_120 : i32
        %select_n3A_122 = arith.constant true
        %select_n3A_123 = arith.select %select_n3A_122, %add3A_121, %select_n3A_99 : i32
        %eq3A_124 = arith.cmpi eq, %select_n3A_123, %select_n3A : i32
        %select_n3A_125 = arith.constant 0 : i32
        %select_n3A_126 = arith.select %eq3A_124, %select_n3A_125, %select_n3A_123 : i32
        %add3A_127 = arith.addi %select_n3A_126, %select_n3A_14 : i32
        %add3A_128 = arith.constant 1 : i32
        %add3A_129 = arith.addi %select_n3A_126, %add3A_128 : i32
        %select_n3A_130 = arith.constant true
        %select_n3A_131 = arith.select %select_n3A_130, %add3A_129, %select_n3A_126 : i32
        %eq3A_132 = arith.cmpi eq, %select_n3A_131, %select_n3A : i32
        %select_n3A_133 = arith.constant 0 : i32
        %select_n3A_134 = arith.select %eq3A_132, %select_n3A_133, %select_n3A_131 : i32
        %add3A_135 = arith.addi %select_n3A_134, %select_n3A_14 : i32
        %convert_element_type3A_136 = arith.extui %eq3A_108 : i1 to i32
        %cond3A_137 = arith.constant 0 : i32
        %cond3A_138 = arith.cmpi ne, %convert_element_type3A_136, %cond3A_137 : i32
        scf.if %cond3A_138 {
        } else {
        }
        %convert_element_type3A_139 = arith.extui %eq3A_108 : i1 to i32
        %cond3A_140 = arith.constant 0 : i32
        %cond3A_141 = arith.cmpi ne, %convert_element_type3A_139, %cond3A_140 : i32
        scf.if %cond3A_141 {
          "tpu.trace_start"() <{level = 10 : i32, message = "ep_finalize"}> : () -> ()
          %rem3A_142 = arith.constant 2 : i32
          %rem3A_143 = arith.remui %while3A_90#3, %rem3A_142 : i32
          %mul3A_144 = arith.constant 128 : i32
          %mul3A_145 = arith.muli %mul3A_144, %add3A_109 : i32
          %dma_wait3A = arith.constant 0 : i32
          %dma_wait3A_146 = arith.constant 0 : i32
          %dma_wait3A_147 = tpu.memref_slice %run_scoped3A_18[%rem3A_143, %dma_wait3A, %dma_wait3A_146] : memref<2x128x256xf32, #tpu.memory_space<vmem>> -> memref<1x128x256xf32, #tpu.memory_space<vmem>>
          %dma_wait3A_148 = tpu.memref_squeeze %dma_wait3A_147 : memref<1x128x256xf32, #tpu.memory_space<vmem>> -> memref<128x256xf32, #tpu.memory_space<vmem>>
          %dma_wait3A_149 = arith.constant 0 : i32
          %dma_wait3A_150 = tpu.memref_slice %arg4[%mul3A_145, %dma_wait3A_149] : memref<9216x256xf32, #tpu.memory_space<hbm>> -> memref<128x256xf32, #tpu.memory_space<hbm>>
          %dma_wait3A_151 = tpu.memref_slice %run_scoped3A_19[%rem3A_143] : memref<2x!tpu.dma_semaphore, #tpu.memory_space<semaphore_mem>> -> memref<1x!tpu.dma_semaphore, #tpu.memory_space<semaphore_mem>>
          %dma_wait3A_152 = tpu.memref_squeeze %dma_wait3A_151 : memref<1x!tpu.dma_semaphore, #tpu.memory_space<semaphore_mem>> -> memref<!tpu.dma_semaphore, #tpu.memory_space<semaphore_mem>>
          %dma_wait3A_153 = arith.constant 0 : i32
          %dma_wait3A_154 = tpu.memref_slice %arg4[%mul3A_145, %dma_wait3A_153] : memref<9216x256xf32, #tpu.memory_space<hbm>> -> memref<128x256xf32, #tpu.memory_space<hbm>>
          %dma_wait3A_155 = arith.constant 0 : i32
          %dma_wait3A_156 = arith.constant 0 : i32
          %dma_wait3A_157 = tpu.memref_slice %run_scoped3A_18[%rem3A_143, %dma_wait3A_155, %dma_wait3A_156] : memref<2x128x256xf32, #tpu.memory_space<vmem>> -> memref<1x128x256xf32, #tpu.memory_space<vmem>>
          %dma_wait3A_158 = tpu.memref_squeeze %dma_wait3A_157 : memref<1x128x256xf32, #tpu.memory_space<vmem>> -> memref<128x256xf32, #tpu.memory_space<vmem>>
          tpu.wait_dma2 semaphore(%dma_wait3A_152 : memref<!tpu.dma_semaphore, #tpu.memory_space<semaphore_mem>>) src(%dma_wait3A_158 : memref<128x256xf32, #tpu.memory_space<vmem>>) dst(%dma_wait3A_154 : memref<128x256xf32, #tpu.memory_space<hbm>>)
          "tpu.trace_stop"() : () -> ()
        } else {
        }
      } else {
      }
      tpu.yield
    }) : () -> ()
    return
  }
}

module attributes {stable_mosaic.version = 14 : i64} {
  func.func @_vq_main(%arg0: i32, %arg1: i32, %arg2: memref<1x288x256xf32, #tpu.memory_space<vmem>>, %arg3: memref<8192x256xf32, #tpu.memory_space<vmem>>, %arg4: memref<1x8192xf32, #tpu.memory_space<vmem>>, %arg5: memref<1x1x8192xf32, #tpu.memory_space<vmem>>, %arg6: memref<1x1x8192xf32, #tpu.memory_space<vmem>>, %arg7: memref<1x288x1xi32, #tpu.memory_space<vmem>>) attributes {dimension_semantics = [#tpu.dimension_semantics<arbitrary>, #tpu.dimension_semantics<arbitrary>], iteration_bounds = array<i64: 16, 2>, scalar_prefetch = 0 : i64, scratch_operands = 0 : i64, tpu.core_type = #tpu.core_type<tc>, window_params = [{transform_indices = @transform_0, window_bounds = array<i64: 1, 288, 256>}, {pipeline_mode = #tpu.pipeline_mode<synchronous>, transform_indices = @transform_1, window_bounds = array<i64: 8192, 256>}, {pipeline_mode = #tpu.pipeline_mode<synchronous>, transform_indices = @transform_2, window_bounds = array<i64: 1, 8192>}, {transform_indices = @transform_3, window_bounds = array<i64: 1, 1, 8192>}, {transform_indices = @transform_4, window_bounds = array<i64: 1, 1, 8192>}, {transform_indices = @transform_5, window_bounds = array<i64: 1, 288, 1>}]} {
    %get3A = arith.constant 0 : index
    %get3A_0 = arith.constant 0 : index
    %get3A_1 = arith.constant 0 : index
    %get3A_2 = vector.load %arg2[%get3A, %get3A_0, %get3A_1] : memref<1x288x256xf32, #tpu.memory_space<vmem>>, vector<1x288x256xf32>
    %get3A_3 = vector.shape_cast %get3A_2 : vector<1x288x256xf32> to vector<288x256xf32>
    %get3A_4 = arith.constant 0 : index
    %get3A_5 = arith.constant 0 : index
    %get3A_6 = vector.load %arg3[%get3A_4, %get3A_5] : memref<8192x256xf32, #tpu.memory_space<vmem>>, vector<8192x256xf32>
    %mul3A = arith.mulf %get3A_3, %get3A_3 : vector<288x256xf32>
    %reduce_sum3A = arith.constant dense<0.000000e+00> : vector<288xf32>
    %reduce_sum3A_7 = vector.multi_reduction <add>, %mul3A, %reduce_sum3A [1] : vector<288x256xf32> to vector<288xf32>
    %broadcast_in_dim3A = vector.shape_cast %reduce_sum3A_7 : vector<288xf32> to vector<288x1xf32>
    %dot_general3A = arith.constant dense<0.000000e+00> : vector<288x8192xf32>
    %dot_general3A_8 = tpu.matmul %get3A_3, %get3A_6, %dot_general3A {dimension_numbers = #tpu.dot_dimension_numbers<[1], [1], [0], [0], [0, 0, 1, 0], [], []>, transpose_lhs_hint = false} : vector<288x256xf32>, vector<8192x256xf32>, vector<288x8192xf32> -> vector<288x8192xf32>
    %get3A_9 = arith.constant 0 : index
    %get3A_10 = arith.constant 0 : index
    %get3A_11 = vector.load %arg4[%get3A_9, %get3A_10] : memref<1x8192xf32, #tpu.memory_space<vmem>>, vector<1x8192xf32>
    %add3A = vector.broadcast %get3A_11 : vector<1x8192xf32> to vector<288x8192xf32>
    %add3A_12 = vector.broadcast %broadcast_in_dim3A : vector<288x1xf32> to vector<288x8192xf32>
    %add3A_13 = arith.addf %add3A, %add3A_12 : vector<288x8192xf32>
    %mul3A_14 = arith.constant 2.000000e+00 : f32
    %mul3A_15 = vector.broadcast %mul3A_14 : f32 to vector<288x8192xf32>
    %mul3A_16 = arith.mulf %mul3A_15, %dot_general3A_8 : vector<288x8192xf32>
    %sub3A = arith.subf %add3A_13, %mul3A_16 : vector<288x8192xf32>
    %reduce_min3A = arith.constant dense<0x7F800000> : vector<288xf32>
    %reduce_min3A_17 = vector.multi_reduction <minimumf>, %sub3A, %reduce_min3A [1] : vector<288x8192xf32> to vector<288xf32>
    %broadcast_in_dim3A_18 = vector.shape_cast %reduce_min3A_17 : vector<288xf32> to vector<288x1xf32>
    %sqrt3A = math.sqrt %sub3A : vector<288x8192xf32>
    %neg3A = arith.constant 0.000000e+00 : f32
    %neg3A_19 = vector.broadcast %neg3A : f32 to vector<288x8192xf32>
    %neg3A_20 = arith.subf %neg3A_19, %sqrt3A : vector<288x8192xf32>
    %exp3A = math.exp %neg3A_20 : vector<288x8192xf32>
    %reduce_sum3A_21 = arith.constant dense<0.000000e+00> : vector<288xf32>
    %reduce_sum3A_22 = vector.multi_reduction <add>, %exp3A, %reduce_sum3A_21 [1] : vector<288x8192xf32> to vector<288xf32>
    %broadcast_in_dim3A_23 = vector.shape_cast %reduce_sum3A_22 : vector<288xf32> to vector<288x1xf32>
    %div3A = arith.constant 0.00173611112 : f32
    %div3A_24 = vector.broadcast %div3A : f32 to vector<288x1xf32>
    %div3A_25 = arith.divf %div3A_24, %broadcast_in_dim3A_23 : vector<288x1xf32>
    %transpose3A = tpu.transpose %div3A_25, [1, 0] : vector<288x1xf32> -> vector<1x288xf32>
    %dot_general3A_26 = arith.constant dense<0.000000e+00> : vector<1x8192xf32>
    %dot_general3A_27 = tpu.matmul %transpose3A, %exp3A, %dot_general3A_26 {dimension_numbers = #tpu.dot_dimension_numbers<[1], [0], [0], [1], [0, 0, 1, 1], [], []>, transpose_lhs_hint = false} : vector<1x288xf32>, vector<288x8192xf32>, vector<1x8192xf32> -> vector<1x8192xf32>
    %iota3A = tpu.iota {dimensions = array<i32: 1>} : vector<288x8192xi32>
    %eq3A = vector.broadcast %broadcast_in_dim3A_18 : vector<288x1xf32> to vector<288x8192xf32>
    %eq3A_28 = arith.cmpf oeq, %sub3A, %eq3A : vector<288x8192xf32>
    %jit3A = arith.constant 8192 : i32
    %broadcast_in_dim3A_29 = vector.broadcast %jit3A : i32 to vector<288x8192xi32>
    %select_n3A = arith.select %eq3A_28, %iota3A, %broadcast_in_dim3A_29 : vector<288x8192xi1>, vector<288x8192xi32>
    %reduce_min3A_30 = arith.constant dense<2147483647> : vector<288xi32>
    %reduce_min3A_31 = vector.multi_reduction <minsi>, %select_n3A, %reduce_min3A_30 [1] : vector<288x8192xi32> to vector<288xi32>
    %broadcast_in_dim3A_32 = vector.shape_cast %reduce_min3A_31 : vector<288xi32> to vector<288x1xi32>
    %eq3A_33 = vector.broadcast %broadcast_in_dim3A_32 : vector<288x1xi32> to vector<288x8192xi32>
    %eq3A_34 = arith.cmpi eq, %iota3A, %eq3A_33 : vector<288x8192xi32>
    %convert_element_type3A = arith.extui %eq3A_34 : vector<288x8192xi1> to vector<288x8192xi32>
    %convert_element_type3A_35 = arith.sitofp %convert_element_type3A : vector<288x8192xi32> to vector<288x8192xf32>
    %convert_element_type3A_36 = arith.truncf %convert_element_type3A_35 : vector<288x8192xf32> to vector<288x8192xbf16>
    %broadcast_in_dim3A_37 = arith.constant 1.000000e+00 : bf16
    %broadcast_in_dim3A_38 = vector.broadcast %broadcast_in_dim3A_37 : bf16 to vector<1x288xbf16>
    %dot_general3A_39 = arith.constant dense<0.000000e+00> : vector<1x8192xf32>
    %dot_general3A_40 = tpu.matmul %broadcast_in_dim3A_38, %convert_element_type3A_36, %dot_general3A_39 {dimension_numbers = #tpu.dot_dimension_numbers<[1], [0], [0], [1], [0, 0, 1, 1], [], []>, transpose_lhs_hint = false} : vector<1x288xbf16>, vector<288x8192xbf16>, vector<1x8192xf32> -> vector<1x8192xf32>
    %swap3A = arith.constant 0 : index
    %swap3A_41 = arith.constant 0 : index
    %swap3A_42 = arith.constant 0 : index
    %swap3A_43 = vector.load %arg7[%swap3A, %swap3A_41, %swap3A_42] : memref<1x288x1xi32, #tpu.memory_space<vmem>>, vector<1x288x1xi32>
    %swap3A_44 = vector.shape_cast %swap3A_43 : vector<1x288x1xi32> to vector<288x1xi32>
    %swap3A_45 = vector.shape_cast %broadcast_in_dim3A_32 : vector<288x1xi32> to vector<1x288x1xi32>
    tpu.vector_store %arg7[%swap3A, %swap3A_41, %swap3A_42], %swap3A_45 {strides = array<i32>} : memref<1x288x1xi32, #tpu.memory_space<vmem>>, vector<1x288x1xi32>,
    %eq3A_46 = arith.constant 0 : i32
    %eq3A_47 = arith.cmpi eq, %arg1, %eq3A_46 : i32
    %convert_element_type3A_48 = arith.extui %eq3A_47 : i1 to i32
    %cond3A = arith.constant 0 : i32
    %cond3A_49 = arith.cmpi ne, %convert_element_type3A_48, %cond3A : i32
    scf.if %cond3A_49 {
      %broadcast_in_dim3A_74 = arith.constant 0.000000e+00 : f32
      %broadcast_in_dim3A_75 = vector.broadcast %broadcast_in_dim3A_74 : f32 to vector<1x1x8192xf32>
      %swap3A_76 = arith.constant 0 : index
      %swap3A_77 = arith.constant 0 : index
      %swap3A_78 = arith.constant 0 : index
      %swap3A_79 = vector.load %arg5[%swap3A_76, %swap3A_77, %swap3A_78] : memref<1x1x8192xf32, #tpu.memory_space<vmem>>, vector<1x1x8192xf32>
      tpu.vector_store %arg5[%swap3A_76, %swap3A_77, %swap3A_78], %broadcast_in_dim3A_75 {strides = array<i32>} : memref<1x1x8192xf32, #tpu.memory_space<vmem>>, vector<1x1x8192xf32>,
      %broadcast_in_dim3A_80 = arith.constant 0.000000e+00 : f32
      %broadcast_in_dim3A_81 = vector.broadcast %broadcast_in_dim3A_80 : f32 to vector<1x1x8192xf32>
      %swap3A_82 = arith.constant 0 : index
      %swap3A_83 = arith.constant 0 : index
      %swap3A_84 = arith.constant 0 : index
      %swap3A_85 = vector.load %arg6[%swap3A_82, %swap3A_83, %swap3A_84] : memref<1x1x8192xf32, #tpu.memory_space<vmem>>, vector<1x1x8192xf32>
      tpu.vector_store %arg6[%swap3A_82, %swap3A_83, %swap3A_84], %broadcast_in_dim3A_81 {strides = array<i32>} : memref<1x1x8192xf32, #tpu.memory_space<vmem>>, vector<1x1x8192xf32>,
    } else {
    }
    %get3A_50 = arith.constant 0 : index
    %get3A_51 = arith.constant 0 : index
    %get3A_52 = arith.constant 0 : index
    %get3A_53 = vector.load %arg5[%get3A_50, %get3A_51, %get3A_52] : memref<1x1x8192xf32, #tpu.memory_space<vmem>>, vector<1x1x8192xf32>
    %get3A_54 = vector.shape_cast %get3A_53 : vector<1x1x8192xf32> to vector<1x8192xf32>
    %add3A_55 = arith.addf %get3A_54, %dot_general3A_27 : vector<1x8192xf32>
    %swap3A_56 = arith.constant 0 : index
    %swap3A_57 = arith.constant 0 : index
    %swap3A_58 = arith.constant 0 : index
    %swap3A_59 = vector.load %arg5[%swap3A_56, %swap3A_57, %swap3A_58] : memref<1x1x8192xf32, #tpu.memory_space<vmem>>, vector<1x1x8192xf32>
    %swap3A_60 = vector.shape_cast %swap3A_59 : vector<1x1x8192xf32> to vector<1x8192xf32>
    %swap3A_61 = vector.shape_cast %add3A_55 : vector<1x8192xf32> to vector<1x1x8192xf32>
    tpu.vector_store %arg5[%swap3A_56, %swap3A_57, %swap3A_58], %swap3A_61 {strides = array<i32>} : memref<1x1x8192xf32, #tpu.memory_space<vmem>>, vector<1x1x8192xf32>,
    %get3A_62 = arith.constant 0 : index
    %get3A_63 = arith.constant 0 : index
    %get3A_64 = arith.constant 0 : index
    %get3A_65 = vector.load %arg6[%get3A_62, %get3A_63, %get3A_64] : memref<1x1x8192xf32, #tpu.memory_space<vmem>>, vector<1x1x8192xf32>
    %get3A_66 = vector.shape_cast %get3A_65 : vector<1x1x8192xf32> to vector<1x8192xf32>
    %add3A_67 = arith.addf %get3A_66, %dot_general3A_40 : vector<1x8192xf32>
    %swap3A_68 = arith.constant 0 : index
    %swap3A_69 = arith.constant 0 : index
    %swap3A_70 = arith.constant 0 : index
    %swap3A_71 = vector.load %arg6[%swap3A_68, %swap3A_69, %swap3A_70] : memref<1x1x8192xf32, #tpu.memory_space<vmem>>, vector<1x1x8192xf32>
    %swap3A_72 = vector.shape_cast %swap3A_71 : vector<1x1x8192xf32> to vector<1x8192xf32>
    %swap3A_73 = vector.shape_cast %add3A_67 : vector<1x8192xf32> to vector<1x1x8192xf32>
    tpu.vector_store %arg6[%swap3A_68, %swap3A_69, %swap3A_70], %swap3A_73 {strides = array<i32>} : memref<1x1x8192xf32, #tpu.memory_space<vmem>>, vector<1x1x8192xf32>,
    return
  }
  func.func @transform_0(%arg0: i32, %arg1: i32) -> (i32, i32, i32) {
    %c0_i32 = arith.constant 0 : i32
    %c0_i32_0 = arith.constant 0 : i32
    return %arg0, %arg1, %c0_i32 : i32, i32, i32
  }
  func.func @transform_1(%arg0: i32, %arg1: i32) -> (i32, i32) {
    %c0_i32 = arith.constant 0 : i32
    %c0_i32_0 = arith.constant 0 : i32
    %c0_i32_1 = arith.constant 0 : i32
    return %c0_i32, %c0_i32_0 : i32, i32
  }
  func.func @transform_2(%arg0: i32, %arg1: i32) -> (i32, i32) {
    %c0_i32 = arith.constant 0 : i32
    %c0_i32_0 = arith.constant 0 : i32
    %c0_i32_1 = arith.constant 0 : i32
    return %c0_i32, %c0_i32_0 : i32, i32
  }
  func.func @transform_3(%arg0: i32, %arg1: i32) -> (i32, i32, i32) {
    %c0_i32 = arith.constant 0 : i32
    %c0_i32_0 = arith.constant 0 : i32
    %c0_i32_1 = arith.constant 0 : i32
    return %arg0, %c0_i32, %c0_i32_0 : i32, i32, i32
  }
  func.func @transform_4(%arg0: i32, %arg1: i32) -> (i32, i32, i32) {
    %c0_i32 = arith.constant 0 : i32
    %c0_i32_0 = arith.constant 0 : i32
    %c0_i32_1 = arith.constant 0 : i32
    return %arg0, %c0_i32, %c0_i32_0 : i32, i32, i32
  }
  func.func @transform_5(%arg0: i32, %arg1: i32) -> (i32, i32, i32) {
    %c0_i32 = arith.constant 0 : i32
    %c0_i32_0 = arith.constant 0 : i32
    return %arg0, %arg1, %c0_i32 : i32, i32, i32
  }
}

module attributes {stable_mosaic.version = 14 : i64} {
  func.func @_epilogue(%arg0: i32, %arg1: memref<16x576x256xf32, #tpu.memory_space<vmem>>, %arg2: memref<16x576x256xf32, #tpu.memory_space<vmem>>, %arg3: memref<16x1x8192xf32, #tpu.memory_space<vmem>>, %arg4: memref<16x1x8192xf32, #tpu.memory_space<vmem>>, %arg5: memref<8x576x256xf32, #tpu.memory_space<vmem>>, %arg6: memref<8x576x256xf32, #tpu.memory_space<vmem>>, %arg7: memref<1x1xf32, #tpu.memory_space<vmem>>, %arg8: memref<1x1xf32, #tpu.memory_space<vmem>>, %arg9: memref<1x1xf32, #tpu.memory_space<vmem>>, %arg10: memref<1x1xf32, #tpu.memory_space<vmem>>, %arg11: memref<1x1xf32, #tpu.memory_space<vmem>>, %arg12: memref<1x1xi32, #tpu.memory_space<vmem>>) attributes {dimension_semantics = [#tpu.dimension_semantics<arbitrary>], iteration_bounds = array<i64: 1>, scalar_prefetch = 0 : i64, scratch_operands = 0 : i64, tpu.core_type = #tpu.core_type<tc>, window_params = [{pipeline_mode = #tpu.pipeline_mode<synchronous>, transform_indices = @transform_0, window_bounds = array<i64: 16, 576, 256>}, {pipeline_mode = #tpu.pipeline_mode<synchronous>, transform_indices = @transform_1, window_bounds = array<i64: 16, 576, 256>}, {pipeline_mode = #tpu.pipeline_mode<synchronous>, transform_indices = @transform_2, window_bounds = array<i64: 16, 1, 8192>}, {pipeline_mode = #tpu.pipeline_mode<synchronous>, transform_indices = @transform_3, window_bounds = array<i64: 16, 1, 8192>}, {pipeline_mode = #tpu.pipeline_mode<synchronous>, transform_indices = @transform_4, window_bounds = array<i64: 8, 576, 256>}, {pipeline_mode = #tpu.pipeline_mode<synchronous>, transform_indices = @transform_5, window_bounds = array<i64: 8, 576, 256>}, {pipeline_mode = #tpu.pipeline_mode<synchronous>, transform_indices = @transform_6, window_bounds = array<i64: 1, 1>}, {pipeline_mode = #tpu.pipeline_mode<synchronous>, transform_indices = @transform_7, window_bounds = array<i64: 1, 1>}, {pipeline_mode = #tpu.pipeline_mode<synchronous>, transform_indices = @transform_8, window_bounds = array<i64: 1, 1>}, {pipeline_mode = #tpu.pipeline_mode<synchronous>, transform_indices = @transform_9, window_bounds = array<i64: 1, 1>}, {pipeline_mode = #tpu.pipeline_mode<synchronous>, transform_indices = @transform_10, window_bounds = array<i64: 1, 1>}, {pipeline_mode = #tpu.pipeline_mode<synchronous>, transform_indices = @transform_11, window_bounds = array<i64: 1, 1>}]} {
    %get3A = arith.constant 0 : index
    %get3A_0 = arith.constant 0 : index
    %get3A_1 = arith.constant 0 : index
    %get3A_2 = vector.load %arg1[%get3A, %get3A_0, %get3A_1] : memref<16x576x256xf32, #tpu.memory_space<vmem>>, vector<16x576x256xf32>
    %get3A_3 = arith.constant 0 : index
    %get3A_4 = arith.constant 0 : index
    %get3A_5 = arith.constant 0 : index
    %get3A_6 = vector.load %arg2[%get3A_3, %get3A_4, %get3A_5] : memref<16x576x256xf32, #tpu.memory_space<vmem>>, vector<16x576x256xf32>
    %slice3A = vector.extract_strided_slice %get3A_2 {offsets = [0, 0, 0], sizes = [8, 576, 256], strides = [1, 1, 1]} : vector<16x576x256xf32> to vector<8x576x256xf32>
    %slice3A_7 = vector.extract_strided_slice %get3A_2 {offsets = [8, 0, 0], sizes = [8, 576, 256], strides = [1, 1, 1]} : vector<16x576x256xf32> to vector<8x576x256xf32>
    %slice3A_8 = vector.extract_strided_slice %get3A_6 {offsets = [0, 0, 0], sizes = [8, 576, 256], strides = [1, 1, 1]} : vector<16x576x256xf32> to vector<8x576x256xf32>
    %slice3A_9 = vector.extract_strided_slice %get3A_6 {offsets = [8, 0, 0], sizes = [8, 576, 256], strides = [1, 1, 1]} : vector<16x576x256xf32> to vector<8x576x256xf32>
    %sub3A = arith.subf %slice3A_8, %slice3A : vector<8x576x256xf32>
    %add3A = arith.addf %slice3A, %sub3A : vector<8x576x256xf32>
    %swap3A = arith.constant 0 : index
    %swap3A_10 = arith.constant 0 : index
    %swap3A_11 = arith.constant 0 : index
    %swap3A_12 = vector.load %arg5[%swap3A, %swap3A_10, %swap3A_11] : memref<8x576x256xf32, #tpu.memory_space<vmem>>, vector<8x576x256xf32>
    tpu.vector_store %arg5[%swap3A, %swap3A_10, %swap3A_11], %add3A {strides = array<i32>} : memref<8x576x256xf32, #tpu.memory_space<vmem>>, vector<8x576x256xf32>,
    %sub3A_13 = arith.subf %slice3A_9, %slice3A_7 : vector<8x576x256xf32>
    %add3A_14 = arith.addf %slice3A_7, %sub3A_13 : vector<8x576x256xf32>
    %swap3A_15 = arith.constant 0 : index
    %swap3A_16 = arith.constant 0 : index
    %swap3A_17 = arith.constant 0 : index
    %swap3A_18 = vector.load %arg6[%swap3A_15, %swap3A_16, %swap3A_17] : memref<8x576x256xf32, #tpu.memory_space<vmem>>, vector<8x576x256xf32>
    tpu.vector_store %arg6[%swap3A_15, %swap3A_16, %swap3A_17], %add3A_14 {strides = array<i32>} : memref<8x576x256xf32, #tpu.memory_space<vmem>>, vector<8x576x256xf32>,
    %sub3A_19 = arith.subf %slice3A, %slice3A_8 : vector<8x576x256xf32>
    %mul3A = arith.mulf %sub3A_19, %sub3A_19 : vector<8x576x256xf32>
    %reduce_sum3A = vector.shape_cast %mul3A : vector<8x576x256xf32> to vector<1x8x576x256xf32>
    %reduce_sum3A_20 = arith.constant dense<0.000000e+00> : vector<1xf32>
    %reduce_sum3A_21 = vector.multi_reduction <add>, %reduce_sum3A, %reduce_sum3A_20 [1, 2, 3] : vector<1x8x576x256xf32> to vector<1xf32>
    %reduce_sum3A_22 = vector.shape_cast %reduce_sum3A_21 : vector<1xf32> to vector<1x1x1x1xf32>
    %reduce_sum3A_23 = vector.extract %reduce_sum3A_22[0, 0, 0, 0] : f32 from vector<1x1x1x1xf32>
    %mul3A_24 = arith.constant 8.4771051E-7 : f32
    %mul3A_25 = arith.mulf %reduce_sum3A_23, %mul3A_24 : f32
    %mul3A_26 = arith.constant 2.000000e+00 : f32
    %mul3A_27 = arith.mulf %mul3A_26, %mul3A_25 : f32
    %sub3A_28 = arith.subf %slice3A, %slice3A_9 : vector<8x576x256xf32>
    %mul3A_29 = arith.mulf %sub3A_28, %sub3A_28 : vector<8x576x256xf32>
    %reduce_sum3A_30 = vector.shape_cast %mul3A_29 : vector<8x576x256xf32> to vector<1x8x576x256xf32>
    %reduce_sum3A_31 = arith.constant dense<0.000000e+00> : vector<1xf32>
    %reduce_sum3A_32 = vector.multi_reduction <add>, %reduce_sum3A_30, %reduce_sum3A_31 [1, 2, 3] : vector<1x8x576x256xf32> to vector<1xf32>
    %reduce_sum3A_33 = vector.shape_cast %reduce_sum3A_32 : vector<1xf32> to vector<1x1x1x1xf32>
    %reduce_sum3A_34 = vector.extract %reduce_sum3A_33[0, 0, 0, 0] : f32 from vector<1x1x1x1xf32>
    %mul3A_35 = arith.constant 8.4771051E-7 : f32
    %mul3A_36 = arith.mulf %reduce_sum3A_34, %mul3A_35 : f32
    %add3A_37 = arith.addf %mul3A_27, %mul3A_36 : f32
    %mul3A_38 = arith.constant 2.500000e-01 : f32
    %mul3A_39 = arith.mulf %mul3A_38, %add3A_37 : f32
    %reshape3A = vector.broadcast %mul3A_39 : f32 to vector<1x1xf32>
    %swap3A_40 = arith.constant 0 : index
    %swap3A_41 = arith.constant 0 : index
    %swap3A_42 = vector.load %arg7[%swap3A_40, %swap3A_41] : memref<1x1xf32, #tpu.memory_space<vmem>>, vector<1x1xf32>
    tpu.vector_store %arg7[%swap3A_40, %swap3A_41], %reshape3A {strides = array<i32>} : memref<1x1xf32, #tpu.memory_space<vmem>>, vector<1x1xf32>,
    %sub3A_43 = arith.subf %slice3A_7, %slice3A_9 : vector<8x576x256xf32>
    %mul3A_44 = arith.mulf %sub3A_43, %sub3A_43 : vector<8x576x256xf32>
    %reduce_sum3A_45 = vector.shape_cast %mul3A_44 : vector<8x576x256xf32> to vector<1x8x576x256xf32>
    %reduce_sum3A_46 = arith.constant dense<0.000000e+00> : vector<1xf32>
    %reduce_sum3A_47 = vector.multi_reduction <add>, %reduce_sum3A_45, %reduce_sum3A_46 [1, 2, 3] : vector<1x8x576x256xf32> to vector<1xf32>
    %reduce_sum3A_48 = vector.shape_cast %reduce_sum3A_47 : vector<1xf32> to vector<1x1x1x1xf32>
    %reduce_sum3A_49 = vector.extract %reduce_sum3A_48[0, 0, 0, 0] : f32 from vector<1x1x1x1xf32>
    %mul3A_50 = arith.constant 8.4771051E-7 : f32
    %mul3A_51 = arith.mulf %reduce_sum3A_49, %mul3A_50 : f32
    %mul3A_52 = arith.constant 2.000000e+00 : f32
    %mul3A_53 = arith.mulf %mul3A_52, %mul3A_51 : f32
    %sub3A_54 = arith.subf %slice3A_7, %slice3A_8 : vector<8x576x256xf32>
    %mul3A_55 = arith.mulf %sub3A_54, %sub3A_54 : vector<8x576x256xf32>
    %reduce_sum3A_56 = vector.shape_cast %mul3A_55 : vector<8x576x256xf32> to vector<1x8x576x256xf32>
    %reduce_sum3A_57 = arith.constant dense<0.000000e+00> : vector<1xf32>
    %reduce_sum3A_58 = vector.multi_reduction <add>, %reduce_sum3A_56, %reduce_sum3A_57 [1, 2, 3] : vector<1x8x576x256xf32> to vector<1xf32>
    %reduce_sum3A_59 = vector.shape_cast %reduce_sum3A_58 : vector<1xf32> to vector<1x1x1x1xf32>
    %reduce_sum3A_60 = vector.extract %reduce_sum3A_59[0, 0, 0, 0] : f32 from vector<1x1x1x1xf32>
    %mul3A_61 = arith.constant 8.4771051E-7 : f32
    %mul3A_62 = arith.mulf %reduce_sum3A_60, %mul3A_61 : f32
    %add3A_63 = arith.addf %mul3A_53, %mul3A_62 : f32
    %mul3A_64 = arith.constant 2.500000e-01 : f32
    %mul3A_65 = arith.mulf %mul3A_64, %add3A_63 : f32
    %reshape3A_66 = vector.broadcast %mul3A_65 : f32 to vector<1x1xf32>
    %swap3A_67 = arith.constant 0 : index
    %swap3A_68 = arith.constant 0 : index
    %swap3A_69 = vector.load %arg8[%swap3A_67, %swap3A_68] : memref<1x1xf32, #tpu.memory_space<vmem>>, vector<1x1xf32>
    tpu.vector_store %arg8[%swap3A_67, %swap3A_68], %reshape3A_66 {strides = array<i32>} : memref<1x1xf32, #tpu.memory_space<vmem>>, vector<1x1xf32>,
    %get3A_70 = arith.constant 0 : index
    %get3A_71 = arith.constant 0 : index
    %get3A_72 = arith.constant 0 : index
    %get3A_73 = vector.load %arg3[%get3A_70, %get3A_71, %get3A_72] : memref<16x1x8192xf32, #tpu.memory_space<vmem>>, vector<8x1x8192xf32>
    %get3A_74 = vector.shape_cast %get3A_73 : vector<8x1x8192xf32> to vector<8x8192xf32>
    %get3A_75 = arith.constant 8 : index
    %get3A_76 = arith.constant 0 : index
    %get3A_77 = arith.constant 0 : index
    %get3A_78 = vector.load %arg3[%get3A_75, %get3A_76, %get3A_77] : memref<16x1x8192xf32, #tpu.memory_space<vmem>>, vector<8x1x8192xf32>
    %get3A_79 = vector.shape_cast %get3A_78 : vector<8x1x8192xf32> to vector<8x8192xf32>
    %add3A_80 = arith.constant 1.000000e-10 : f32
    %add3A_81 = vector.broadcast %add3A_80 : f32 to vector<8x8192xf32>
    %add3A_82 = arith.addf %get3A_74, %add3A_81 : vector<8x8192xf32>
    %log3A = math.log %add3A_82 : vector<8x8192xf32>
    %add3A_83 = arith.constant 1.000000e-10 : f32
    %add3A_84 = vector.broadcast %add3A_83 : f32 to vector<8x8192xf32>
    %add3A_85 = arith.addf %get3A_79, %add3A_84 : vector<8x8192xf32>
    %log3A_86 = math.log %add3A_85 : vector<8x8192xf32>
    %dot_general3A = arith.constant dense<0.000000e+00> : vector<8x8xf32>
    %dot_general3A_87 = tpu.matmul %get3A_74, %log3A_86, %dot_general3A {dimension_numbers = #tpu.dot_dimension_numbers<[1], [1], [0], [0], [0, 0, 1, 0], [], []>, transpose_lhs_hint = false} : vector<8x8192xf32>, vector<8x8192xf32>, vector<8x8xf32> -> vector<8x8xf32>
    %dot_general3A_88 = arith.constant dense<0.000000e+00> : vector<8x8xf32>
    %dot_general3A_89 = tpu.matmul %get3A_79, %log3A, %dot_general3A_88 {dimension_numbers = #tpu.dot_dimension_numbers<[1], [1], [0], [0], [0, 0, 1, 0], [], []>, transpose_lhs_hint = false} : vector<8x8192xf32>, vector<8x8192xf32>, vector<8x8xf32> -> vector<8x8xf32>
    %add3A_90 = arith.addf %dot_general3A_87, %dot_general3A_89 : vector<8x8xf32>
    %neg3A = arith.constant 0.000000e+00 : f32
    %neg3A_91 = vector.broadcast %neg3A : f32 to vector<8x8xf32>
    %neg3A_92 = arith.subf %neg3A_91, %add3A_90 : vector<8x8xf32>
    %reduce_max3A = vector.shape_cast %neg3A_92 : vector<8x8xf32> to vector<1x8x8xf32>
    %reduce_max3A_93 = arith.constant dense<0xFF800000> : vector<1xf32>
    %reduce_max3A_94 = vector.multi_reduction <maximumf>, %reduce_max3A, %reduce_max3A_93 [1, 2] : vector<1x8x8xf32> to vector<1xf32>
    %reduce_max3A_95 = vector.shape_cast %reduce_max3A_94 : vector<1xf32> to vector<1x1x1xf32>
    %reduce_max3A_96 = vector.extract %reduce_max3A_95[0, 0, 0] : f32 from vector<1x1x1xf32>
    %add3A_97 = vector.broadcast %reduce_max3A_96 : f32 to vector<8x8xf32>
    %add3A_98 = arith.addf %add3A_90, %add3A_97 : vector<8x8xf32>
    %exp3A = math.exp %add3A_98 : vector<8x8xf32>
    %reduce_sum3A_99 = arith.constant dense<0.000000e+00> : vector<8xf32>
    %reduce_sum3A_100 = vector.multi_reduction <add>, %exp3A, %reduce_sum3A_99 [1] : vector<8x8xf32> to vector<8xf32>
    %broadcast_in_dim3A = vector.shape_cast %reduce_sum3A_100 : vector<8xf32> to vector<8x1xf32>
    %iota3A = tpu.iota {dimensions = array<i32: 0>} : vector<8x8xi32>
    %iota3A_101 = tpu.iota {dimensions = array<i32: 1>} : vector<8x8xi32>
    %eq3A = arith.cmpi eq, %iota3A, %iota3A_101 : vector<8x8xi32>
    %jit3A = arith.constant 0.000000e+00 : f32
    %broadcast_in_dim3A_102 = vector.broadcast %jit3A : f32 to vector<8x8xf32>
    %select_n3A = arith.select %eq3A, %exp3A, %broadcast_in_dim3A_102 : vector<8x8xi1>, vector<8x8xf32>
    %reduce_sum3A_103 = arith.constant dense<0.000000e+00> : vector<8xf32>
    %reduce_sum3A_104 = vector.multi_reduction <add>, %select_n3A, %reduce_sum3A_103 [1] : vector<8x8xf32> to vector<8xf32>
    %broadcast_in_dim3A_105 = vector.shape_cast %reduce_sum3A_104 : vector<8xf32> to vector<8x1xf32>
    %add3A_106 = arith.constant 9.99999974E-6 : f32
    %add3A_107 = vector.broadcast %add3A_106 : f32 to vector<8x1xf32>
    %add3A_108 = arith.addf %broadcast_in_dim3A, %add3A_107 : vector<8x1xf32>
    %div3A = arith.divf %broadcast_in_dim3A_105, %add3A_108 : vector<8x1xf32>
    %log3A_109 = math.log %div3A : vector<8x1xf32>
    %reduce_sum3A_110 = vector.shape_cast %log3A_109 : vector<8x1xf32> to vector<1x8x1xf32>
    %reduce_sum3A_111 = arith.constant dense<0.000000e+00> : vector<1xf32>
    %reduce_sum3A_112 = vector.multi_reduction <add>, %reduce_sum3A_110, %reduce_sum3A_111 [1, 2] : vector<1x8x1xf32> to vector<1xf32>
    %reduce_sum3A_113 = vector.shape_cast %reduce_sum3A_112 : vector<1xf32> to vector<1x1x1xf32>
    %reduce_sum3A_114 = vector.extract %reduce_sum3A_113[0, 0, 0] : f32 from vector<1x1x1xf32>
    %neg3A_115 = arith.constant 0.000000e+00 : f32
    %neg3A_116 = arith.subf %neg3A_115, %reduce_sum3A_114 : f32
    %mul3A_117 = arith.constant 1.250000e-01 : f32
    %mul3A_118 = arith.mulf %neg3A_116, %mul3A_117 : f32
    %mul3A_119 = arith.constant 5.000000e-01 : f32
    %mul3A_120 = arith.mulf %mul3A_119, %mul3A_118 : f32
    %reshape3A_121 = vector.broadcast %mul3A_120 : f32 to vector<1x1xf32>
    %swap3A_122 = arith.constant 0 : index
    %swap3A_123 = arith.constant 0 : index
    %swap3A_124 = vector.load %arg11[%swap3A_122, %swap3A_123] : memref<1x1xf32, #tpu.memory_space<vmem>>, vector<1x1xf32>
    tpu.vector_store %arg11[%swap3A_122, %swap3A_123], %reshape3A_121 {strides = array<i32>} : memref<1x1xf32, #tpu.memory_space<vmem>>, vector<1x1xf32>,
    %get3A_125 = arith.constant 0 : index
    %get3A_126 = arith.constant 0 : index
    %get3A_127 = arith.constant 0 : index
    %get3A_128 = vector.load %arg4[%get3A_125, %get3A_126, %get3A_127] : memref<16x1x8192xf32, #tpu.memory_space<vmem>>, vector<8x1x8192xf32>
    %get3A_129 = vector.shape_cast %get3A_128 : vector<8x1x8192xf32> to vector<8x8192xf32>
    %get3A_130 = arith.constant 8 : index
    %get3A_131 = arith.constant 0 : index
    %get3A_132 = arith.constant 0 : index
    %get3A_133 = vector.load %arg4[%get3A_130, %get3A_131, %get3A_132] : memref<16x1x8192xf32, #tpu.memory_space<vmem>>, vector<8x1x8192xf32>
    %get3A_134 = vector.shape_cast %get3A_133 : vector<8x1x8192xf32> to vector<8x8192xf32>
    %iota3A_135 = tpu.iota {dimensions = array<i32: 1>} : vector<8x8192xi32>
    %reduce_max3A_136 = arith.constant dense<0xFF800000> : vector<8xf32>
    %reduce_max3A_137 = vector.multi_reduction <maximumf>, %get3A_129, %reduce_max3A_136 [1] : vector<8x8192xf32> to vector<8xf32>
    %broadcast_in_dim3A_138 = vector.shape_cast %reduce_max3A_137 : vector<8xf32> to vector<8x1xf32>
    %reduce_max3A_139 = arith.constant dense<0xFF800000> : vector<8xf32>
    %reduce_max3A_140 = vector.multi_reduction <maximumf>, %get3A_134, %reduce_max3A_139 [1] : vector<8x8192xf32> to vector<8xf32>
    %broadcast_in_dim3A_141 = vector.shape_cast %reduce_max3A_140 : vector<8xf32> to vector<8x1xf32>
    %eq3A_142 = vector.broadcast %broadcast_in_dim3A_138 : vector<8x1xf32> to vector<8x8192xf32>
    %eq3A_143 = arith.cmpf oeq, %get3A_129, %eq3A_142 : vector<8x8192xf32>
    %jit3A_144 = arith.constant 8192 : i32
    %broadcast_in_dim3A_145 = vector.broadcast %jit3A_144 : i32 to vector<8x8192xi32>
    %select_n3A_146 = arith.select %eq3A_143, %iota3A_135, %broadcast_in_dim3A_145 : vector<8x8192xi1>, vector<8x8192xi32>
    %reduce_min3A = arith.constant dense<2147483647> : vector<8xi32>
    %reduce_min3A_147 = vector.multi_reduction <minsi>, %select_n3A_146, %reduce_min3A [1] : vector<8x8192xi32> to vector<8xi32>
    %broadcast_in_dim3A_148 = vector.shape_cast %reduce_min3A_147 : vector<8xi32> to vector<8x1xi32>
    %eq3A_149 = vector.broadcast %broadcast_in_dim3A_141 : vector<8x1xf32> to vector<8x8192xf32>
    %eq3A_150 = arith.cmpf oeq, %get3A_134, %eq3A_149 : vector<8x8192xf32>
    %jit3A_151 = arith.constant 8192 : i32
    %broadcast_in_dim3A_152 = vector.broadcast %jit3A_151 : i32 to vector<8x8192xi32>
    %select_n3A_153 = arith.select %eq3A_150, %iota3A_135, %broadcast_in_dim3A_152 : vector<8x8192xi1>, vector<8x8192xi32>
    %reduce_min3A_154 = arith.constant dense<2147483647> : vector<8xi32>
    %reduce_min3A_155 = vector.multi_reduction <minsi>, %select_n3A_153, %reduce_min3A_154 [1] : vector<8x8192xi32> to vector<8xi32>
    %broadcast_in_dim3A_156 = vector.shape_cast %reduce_min3A_155 : vector<8xi32> to vector<8x1xi32>
    %eq3A_157 = arith.cmpi eq, %broadcast_in_dim3A_148, %broadcast_in_dim3A_156 : vector<8x1xi32>
    %convert_element_type3A = arith.extui %eq3A_157 : vector<8x1xi1> to vector<8x1xi32>
    %reduce_sum3A_158 = vector.shape_cast %convert_element_type3A : vector<8x1xi32> to vector<1x8x1xi32>
    %reduce_sum3A_159 = arith.constant dense<0> : vector<1xi32>
    %reduce_sum3A_160 = vector.multi_reduction <add>, %reduce_sum3A_158, %reduce_sum3A_159 [1, 2] : vector<1x8x1xi32> to vector<1xi32>
    %reduce_sum3A_161 = vector.shape_cast %reduce_sum3A_160 : vector<1xi32> to vector<1x1x1xi32>
    %reduce_sum3A_162 = vector.extract %reduce_sum3A_161[0, 0, 0] : i32 from vector<1x1x1xi32>
    %reshape3A_163 = vector.broadcast %reduce_sum3A_162 : i32 to vector<1x1xi32>
    %swap3A_164 = arith.constant 0 : index
    %swap3A_165 = arith.constant 0 : index
    %swap3A_166 = vector.load %arg12[%swap3A_164, %swap3A_165] : memref<1x1xi32, #tpu.memory_space<vmem>>, vector<1x1xi32>
    tpu.vector_store %arg12[%swap3A_164, %swap3A_165], %reshape3A_163 {strides = array<i32>} : memref<1x1xi32, #tpu.memory_space<vmem>>, vector<1x1xi32>,
    %reduce_sum3A_167 = arith.constant dense<0.000000e+00> : vector<8192xf32>
    %reduce_sum3A_168 = vector.multi_reduction <add>, %get3A_129, %reduce_sum3A_167 [0] : vector<8x8192xf32> to vector<8192xf32>
    %broadcast_in_dim3A_169 = vector.shape_cast %reduce_sum3A_168 : vector<8192xf32> to vector<1x8192xf32>
    %mul3A_170 = arith.constant 2.17013891E-4 : f32
    %mul3A_171 = vector.broadcast %mul3A_170 : f32 to vector<1x8192xf32>
    %mul3A_172 = arith.mulf %broadcast_in_dim3A_169, %mul3A_171 : vector<1x8192xf32>
    %reduce_sum3A_173 = arith.constant dense<0.000000e+00> : vector<8192xf32>
    %reduce_sum3A_174 = vector.multi_reduction <add>, %get3A_134, %reduce_sum3A_173 [0] : vector<8x8192xf32> to vector<8192xf32>
    %broadcast_in_dim3A_175 = vector.shape_cast %reduce_sum3A_174 : vector<8192xf32> to vector<1x8192xf32>
    %mul3A_176 = arith.constant 2.17013891E-4 : f32
    %mul3A_177 = vector.broadcast %mul3A_176 : f32 to vector<1x8192xf32>
    %mul3A_178 = arith.mulf %broadcast_in_dim3A_175, %mul3A_177 : vector<1x8192xf32>
    %add3A_179 = arith.constant 1.000000e-10 : f32
    %add3A_180 = vector.broadcast %add3A_179 : f32 to vector<1x8192xf32>
    %add3A_181 = arith.addf %mul3A_172, %add3A_180 : vector<1x8192xf32>
    %log3A_182 = math.log %add3A_181 : vector<1x8192xf32>
    %mul3A_183 = arith.mulf %mul3A_172, %log3A_182 : vector<1x8192xf32>
    %reduce_sum3A_184 = vector.shape_cast %mul3A_183 : vector<1x8192xf32> to vector<1x1x8192xf32>
    %reduce_sum3A_185 = arith.constant dense<0.000000e+00> : vector<1xf32>
    %reduce_sum3A_186 = vector.multi_reduction <add>, %reduce_sum3A_184, %reduce_sum3A_185 [1, 2] : vector<1x1x8192xf32> to vector<1xf32>
    %reduce_sum3A_187 = vector.shape_cast %reduce_sum3A_186 : vector<1xf32> to vector<1x1x1xf32>
    %reduce_sum3A_188 = vector.extract %reduce_sum3A_187[0, 0, 0] : f32 from vector<1x1x1xf32>
    %neg3A_189 = arith.constant 0.000000e+00 : f32
    %neg3A_190 = arith.subf %neg3A_189, %reduce_sum3A_188 : f32
    %exp3A_191 = math.exp %neg3A_190 : f32
    %reshape3A_192 = vector.broadcast %exp3A_191 : f32 to vector<1x1xf32>
    %swap3A_193 = arith.constant 0 : index
    %swap3A_194 = arith.constant 0 : index
    %swap3A_195 = vector.load %arg9[%swap3A_193, %swap3A_194] : memref<1x1xf32, #tpu.memory_space<vmem>>, vector<1x1xf32>
    tpu.vector_store %arg9[%swap3A_193, %swap3A_194], %reshape3A_192 {strides = array<i32>} : memref<1x1xf32, #tpu.memory_space<vmem>>, vector<1x1xf32>,
    %add3A_196 = arith.constant 1.000000e-10 : f32
    %add3A_197 = vector.broadcast %add3A_196 : f32 to vector<1x8192xf32>
    %add3A_198 = arith.addf %mul3A_178, %add3A_197 : vector<1x8192xf32>
    %log3A_199 = math.log %add3A_198 : vector<1x8192xf32>
    %mul3A_200 = arith.mulf %mul3A_178, %log3A_199 : vector<1x8192xf32>
    %reduce_sum3A_201 = vector.shape_cast %mul3A_200 : vector<1x8192xf32> to vector<1x1x8192xf32>
    %reduce_sum3A_202 = arith.constant dense<0.000000e+00> : vector<1xf32>
    %reduce_sum3A_203 = vector.multi_reduction <add>, %reduce_sum3A_201, %reduce_sum3A_202 [1, 2] : vector<1x1x8192xf32> to vector<1xf32>
    %reduce_sum3A_204 = vector.shape_cast %reduce_sum3A_203 : vector<1xf32> to vector<1x1x1xf32>
    %reduce_sum3A_205 = vector.extract %reduce_sum3A_204[0, 0, 0] : f32 from vector<1x1x1xf32>
    %neg3A_206 = arith.constant 0.000000e+00 : f32
    %neg3A_207 = arith.subf %neg3A_206, %reduce_sum3A_205 : f32
    %exp3A_208 = math.exp %neg3A_207 : f32
    %reshape3A_209 = vector.broadcast %exp3A_208 : f32 to vector<1x1xf32>
    %swap3A_210 = arith.constant 0 : index
    %swap3A_211 = arith.constant 0 : index
    %swap3A_212 = vector.load %arg10[%swap3A_210, %swap3A_211] : memref<1x1xf32, #tpu.memory_space<vmem>>, vector<1x1xf32>
    tpu.vector_store %arg10[%swap3A_210, %swap3A_211], %reshape3A_209 {strides = array<i32>} : memref<1x1xf32, #tpu.memory_space<vmem>>, vector<1x1xf32>,
    return
  }
  func.func @transform_0(%arg0: i32) -> (i32, i32, i32) {
    %c0_i32 = arith.constant 0 : i32
    %c0_i32_0 = arith.constant 0 : i32
    %c0_i32_1 = arith.constant 0 : i32
    %c0_i32_2 = arith.constant 0 : i32
    return %c0_i32, %c0_i32_0, %c0_i32_1 : i32, i32, i32
  }
  func.func @transform_1(%arg0: i32) -> (i32, i32, i32) {
    %c0_i32 = arith.constant 0 : i32
    %c0_i32_0 = arith.constant 0 : i32
    %c0_i32_1 = arith.constant 0 : i32
    %c0_i32_2 = arith.constant 0 : i32
    return %c0_i32, %c0_i32_0, %c0_i32_1 : i32, i32, i32
  }
  func.func @transform_2(%arg0: i32) -> (i32, i32, i32) {
    %c0_i32 = arith.constant 0 : i32
    %c0_i32_0 = arith.constant 0 : i32
    %c0_i32_1 = arith.constant 0 : i32
    %c0_i32_2 = arith.constant 0 : i32
    return %c0_i32, %c0_i32_0, %c0_i32_1 : i32, i32, i32
  }
  func.func @transform_3(%arg0: i32) -> (i32, i32, i32) {
    %c0_i32 = arith.constant 0 : i32
    %c0_i32_0 = arith.constant 0 : i32
    %c0_i32_1 = arith.constant 0 : i32
    %c0_i32_2 = arith.constant 0 : i32
    return %c0_i32, %c0_i32_0, %c0_i32_1 : i32, i32, i32
  }
  func.func @transform_4(%arg0: i32) -> (i32, i32, i32) {
    %c0_i32 = arith.constant 0 : i32
    %c0_i32_0 = arith.constant 0 : i32
    %c0_i32_1 = arith.constant 0 : i32
    %c0_i32_2 = arith.constant 0 : i32
    return %c0_i32, %c0_i32_0, %c0_i32_1 : i32, i32, i32
  }
  func.func @transform_5(%arg0: i32) -> (i32, i32, i32) {
    %c0_i32 = arith.constant 0 : i32
    %c0_i32_0 = arith.constant 0 : i32
    %c0_i32_1 = arith.constant 0 : i32
    %c0_i32_2 = arith.constant 0 : i32
    return %c0_i32, %c0_i32_0, %c0_i32_1 : i32, i32, i32
  }
  func.func @transform_6(%arg0: i32) -> (i32, i32) {
    %c0_i32 = arith.constant 0 : i32
    %c0_i32_0 = arith.constant 0 : i32
    %c0_i32_1 = arith.constant 0 : i32
    return %c0_i32, %c0_i32_0 : i32, i32
  }
  func.func @transform_7(%arg0: i32) -> (i32, i32) {
    %c0_i32 = arith.constant 0 : i32
    %c0_i32_0 = arith.constant 0 : i32
    %c0_i32_1 = arith.constant 0 : i32
    return %c0_i32, %c0_i32_0 : i32, i32
  }
  func.func @transform_8(%arg0: i32) -> (i32, i32) {
    %c0_i32 = arith.constant 0 : i32
    %c0_i32_0 = arith.constant 0 : i32
    %c0_i32_1 = arith.constant 0 : i32
    return %c0_i32, %c0_i32_0 : i32, i32
  }
  func.func @transform_9(%arg0: i32) -> (i32, i32) {
    %c0_i32 = arith.constant 0 : i32
    %c0_i32_0 = arith.constant 0 : i32
    %c0_i32_1 = arith.constant 0 : i32
    return %c0_i32, %c0_i32_0 : i32, i32
  }
  func.func @transform_10(%arg0: i32) -> (i32, i32) {
    %c0_i32 = arith.constant 0 : i32
    %c0_i32_0 = arith.constant 0 : i32
    %c0_i32_1 = arith.constant 0 : i32
    return %c0_i32, %c0_i32_0 : i32, i32
  }
  func.func @transform_11(%arg0: i32) -> (i32, i32) {
    %c0_i32 = arith.constant 0 : i32
    %c0_i32_0 = arith.constant 0 : i32
    %c0_i32_1 = arith.constant 0 : i32
    return %c0_i32, %c0_i32_0 : i32, i32
  }
}

</mosaic_0001>

<sc_bundles>
// kernel: kernel.5.cloned.1.call-start
scs
__scs_entry_jumppad:
0x0: {  	(pc) =	sbr.rel $0x88, $3  }
0x1: {  	(tag) =	ssettag $0x0;
	lr =	simm.s32 $0x1  }
0x2: {  	[smem:$0x3F9E] =	sst lr;
	_ =	strace $0xD0000000  }
0x3: {  	_ = 	snop  }
0x4: {  	_ = 	snop  }
0x5: {  	_ = 	snop  }
0x6: {  	_ = 	snop  }
0x7: {  	_ = 	snop  }
__scs_overlays_trampoline_lowered:
0x8: {  	[smem:$0x3FAD] =	sst s0  }
0x9: {  	[smem:$0x3FAE] =	sst s1  }
0xa: {  	[smem:$0x3FAF] =	sst s2  }
0xb: {  	[smem:$0x3FB0] =	sst s3  }
0xc: {  	[smem:$0x3FB1] =	sst s4  }
0xd: {  	[smem:$0x3FB2] =	sst s5  }
0xe: {  	[smem:$0x3FB3] =	sst s6  }
0xf: {  	[smem:$0x3FB4] =	sst s7  }
0x10: {  	[smem:$0x3FB5] =	sst s8  }
0x11: {  	[smem:$0x3FB6] =	sst s9;
	s0 =	simm.s32 @!p0 $0x0  }
0x12: {  	s1 =	sld [smem:$0x3F9C];
	s0 =	simm.s32 @p0 $0x1  }
0x13: {  	[smem:$0x3FB7] =	sst s0;
	s0 =	simm.s32 @!p1 $0x0  }
0x14: {  	s2 =	sld [smem:$0x3F9B];
	s0 =	simm.s32 @p1 $0x1  }
0x15: {  	[smem:$0x3FB8] =	sst s0;
	s0 =	simm.s32 @!p2 $0x0  }
0x16: {  	s3 =	sld [smem:$0x3FDB];
	s0 =	simm.s32 @p2 $0x1  }
0x17: {  	s4 =	simm.s32 $0x1BF5;
	[smem:$0x3FBA] =	sst s0  }
0x18: {  	s0 =	sld [smem:$0x3F9D];
	_ =	swait.ge [sflag:s4], $0x0  }
0x19: {  	s7 =	sld [smem:$0x3F9E]  }
0x1a: {  	s8 =	sadd.s32 $0xFFFFE003, lr  }
0x1b: {  	s9 =	sadd.s32 $0xFFFFFEF7, lr;
	s5 =	simm.s32 $0xFFFFFFFF;
	p2 =	slt.u32 s8, $0xFFFFF086  }
0x1c: {  	p1 =	slt.u32 s9, $0xF7A;
	s5 =	simm.s32 @!p2 $0x0  }
0x1d: {  	s5 =	simm.s32 @p1 $0x1;
	p0 =	seq.s32 s7, s2  }
0x1e: {  	s7 =	smul.u32 @!p0 $0xF7A, s2;
	p2 =	seq.s32 @!p0 s5, $0x0  }
0x1f: {  	s9 =	smul.u32 $0xF7A, s1;
	s8 =	simm.s32 @!p0 $0x1BF5;
	p2 =	por !p2, p0  }
0x20: {  	[sflag:s8] =	ssyncset.s32 @!p0 $0xFFFFF086;
	s6 =	sadd.s32 @!p0 s3, s7;
	s7 =	simm.s32 @!p0 $0x108  }
0x21: {  	s3 =	sadd.s32 s3, s9;
	s6 =	sadd.s32 @!p0 $0x88, s6;
	s7 =	simm.s32 @p2 $0x1082  }
0x22: {  	[simem:s7], [sflag:s8] =	dma.local @!p0 [hbm:s6], $0xF7A  }
0x23: {  	s9 =	sor.u32 $0xD0000000, s2;
	s6 =	simm.s32 $0x108;
	_ =	swait.ge @!p0 [sflag:s8], $0x0  }
0x24: {  	s3 =	sadd.s32 $0x88, s3;
	s6 =	simm.s32 @!p1 $0x1082;
	[sflag:s4] =	ssyncset.s32 $0xFFFFF086  }
0x25: {  	[simem:s6], [sflag:s4] =	dma.local [hbm:s3], $0xF7A  }
0x26: {  	[smem:$0x3F9E] =	sst s1;
	(tag) =	ssettag s2;
	_ =	strace s9  }
0x27: {  	s1 =	sld [smem:$0x3FAE]  }
0x28: {  	s2 =	sld [smem:$0x3FAF]  }
0x29: {  	s4 =	sld [smem:$0x3FB1]  }
0x2a: {  	p0 =	seq.s32 s5, $0x0;
	s5 =	sld [smem:$0x3FB2]  }
0x2b: {  	s6 =	sld [smem:$0x3FB3]  }
0x2c: {  	s7 =	sld [smem:$0x3FB4]  }
0x2d: {  	s3 =	simm.s32 $0x108;
	s8 =	sld [smem:$0x3FB5]  }
0x2e: {  	s3 =	simm.s32 @!p0 $0x1082;
	s9 =	sld [smem:$0x3FB6]  }
0x2f: {  	lr =	sadd.s32 s0, s3;
	s0 =	sld [smem:$0x3FAD]  }
0x30: {  	s3 =	sld [smem:$0x3FB0]  }
0x31: {  	[smem:$0x3FB9] =	sst s10  }
0x32: {  	s10 =	sld [smem:$0x3FB7];
	_ =	sdelay $0x3  }
0x33: {  	p0 =	seq.s32 s10, $0x1;
	s10 =	sld [smem:$0x3FB9];
	_ =	sdelay $0x3  }
0x34: {  	[smem:$0x3FB9] =	sst s10  }
0x35: {  	s10 =	sld [smem:$0x3FB8];
	_ =	sdelay $0x3  }
0x36: {  	p1 =	seq.s32 s10, $0x1;
	s10 =	sld [smem:$0x3FB9];
	_ =	sdelay $0x3  }
0x37: {  	[smem:$0x3FB9] =	sst s10  }
0x38: {  	s10 =	sld [smem:$0x3FBA]  }
0x39: {  	_ = 	snop;
	(pc) =	sbr.ind lr, $3  }
0x3a: {  	_ = 	snop  }
0x3b: {  	_ = 	snop  }
0x3c: {  	p2 =	seq.s32 s10, $0x1;
	s10 =	sld [smem:$0x3FB9]  }
0x3d: {  	_ =	shalt  }
0x3e: {  	_ =	shalt  }
0x3f: {  	_ =	shalt  }
0x40: {  	_ =	shalt  }
0x41: {  	_ =	shalt  }
0x42: {  	_ =	shalt  }
0x43: {  	_ =	shalt  }
0x44: {  	_ =	shalt  }
0x45: {  	_ =	shalt  }
0x46: {  	_ =	shalt  }
0x47: {  	_ =	shalt  }
0x48: {  	_ =	shalt  }
0x49: {  	_ =	shalt  }
0x4a: {  	_ =	shalt  }
0x4b: {  	_ =	shalt  }
0x4c: {  	_ =	shalt  }
0x4d: {  	_ =	shalt  }
0x4e: {  	_ =	shalt  }
0x4f: {  	_ =	shalt  }
0x50: {  	_ =	shalt  }
0x51: {  	_ =	shalt  }
0x52: {  	_ =	shalt  }
0x53: {  	_ =	shalt  }
0x54: {  	_ =	shalt  }
0x55: {  	_ =	shalt  }
0x56: {  	_ =	shalt  }
0x57: {  	_ =	shalt  }
0x58: {  	_ =	shalt  }
0x59: {  	_ =	shalt  }
0x5a: {  	_ =	shalt  }
0x5b: {  	_ =	shalt  }
0x5c: {  	_ =	shalt  }
0x5d: {  	_ =	shalt  }
0x5e: {  	_ =	shalt  }
0x5f: {  	_ =	shalt  }
0x60: {  	_ =	shalt  }
0x61: {  	_ =	shalt  }
0x62: {  	_ =	shalt  }
0x63: {  	_ =	shalt  }
0x64: {  	_ =	shalt  }
0x65: {  	_ =	shalt  }
0x66: {  	_ =	shalt  }
0x67: {  	_ =	shalt  }
0x68: {  	_ =	shalt  }
0x69: {  	_ =	shalt  }
0x6a: {  	_ =	shalt  }
0x6b: {  	_ =	shalt  }
0x6c: {  	_ =	shalt  }
0x6d: {  	_ =	shalt  }
0x6e: {  	_ =	shalt  }
0x6f: {  	_ =	shalt  }
0x70: {  	_ =	shalt  }
0x71: {  	_ =	shalt  }
0x72: {  	_ =	shalt  }
0x73: {  	_ =	shalt  }
0x74: {  	_ =	shalt  }
0x75: {  	_ =	shalt  }
0x76: {  	_ =	shalt  }
0x77: {  	_ =	shalt  }
0x78: {  	_ =	shalt  }
0x79: {  	_ =	shalt  }
0x7a: {  	_ =	shalt  }
0x7b: {  	_ =	shalt  }
0x7c: {  	_ =	shalt  }
0x7d: {  	_ =	shalt  }
0x7e: {  	_ =	shalt  }
0x7f: {  	_ =	shalt  }
0x80: {  	_ =	shalt  }
0x81: {  	_ =	shalt  }
0x82: {  	_ =	shalt  }
0x83: {  	_ =	shalt  }
0x84: {  	_ =	shalt  }
0x85: {  	_ =	shalt  }
0x86: {  	_ =	shalt  }
0x87: {  	_ =	shalt  }
.Lfunc_end0:
.L_simem_size_0:
called_computation_lowered:
.L_overlay_start_0:
0x88: {  	s2 =	sld [smem:$0x3FD9]  }
0x89: {  	s3 =	sld [smem:$0x3FFE];
	_ =	sdelay $0x1  }
0x8a: {  	s1 =	srdreg.scid  }
0x8b: {  	s0 =	sand.u32 $0x1, s1  }
0x8c: {  	s14 =	sshll.u32 s0, $0xA;
	s2 =	sadd.s32 s3, s2  }
0x8d: {  	s2 =	sadd.s32 s2, s14  }
0x8e: {  	[smem:$0x3FC5] =	sst s2  }
0x8f: {  	_ = 	snop  }
0x90: {  	s2 =	sld [smem:$0x3FD0];
	_ =	sdelay $0x2  }
0x91: {  	s4 =	simm.s32 $0xA;
	s5 =	simm.s32 $0x10;
	s15 =	sld [smem:$0x3FC7]  }
0x92: {  	[smem:s5], [sflag:s4] =	dma.local [hbm:s2], $0x1  }
0x93: {  	_ =	swait.eq [sflag:s4], $0x1  }
0x94: {  	[sflag:s4] =	ssyncset.done $0x0  }
0x95: {  	[sflag:s4] =	ssyncadd.s32 $0xFFFFFFFF  }
0x96: {  	s16 =	sld [smem:$0x11];
	(tm) =	ssettm $0x1  }
0x97: {  	s17 =	sld [smem:$0x3FFB];
	_ =	sdelay $0x3  }
0x98: {  	_ =	strace s17  }
0x99: {  	s4 =	sld [smem:$0x3FFC];
	_ =	sdelay $0x3  }
0x9a: {  	_ =	strace s4  }
0x9b: {  	s4 =	sld [smem:$0x3FFD];
	_ =	sdelay $0x3  }
0x9c: {  	_ =	strace s4  }
0x9d: {  	_ =	strace $0x8FFFFFFF  }
0x9e: {  	s18 =	sld [smem:$0x3FDB];
	_ =	sdelay $0x1  }
0x9f: {  	s19 =	simm.s32 $_scs_section_size  }
0xa0: {  	s6 =	simm.s32 $_size__tile_overlayer_lowered;
	s7 =	simm.s32 $_tile_overlayer_lowered  }
0xa1: {  	s22 =	simm.s32 $0x1BFF;
	s21 =	sshll.u32 s7, $0x1;
	s4 =	sadd.s32 s19, s18  }
0xa2: {  	s8 =	simm.s32 $0x0;
	s20 =	sshll.u32 s6, $0x1;
	s6 =	sadd.s32 s21, s4  }
0xa3: {  	[timem:s8], [sflag:s22] =	dma.local [hbm:s6], s20  }
0xa4: {  	_ =	swait.ge [sflag:s22], s20  }
0xa5: {  	s5 =	ssub.s32 $0x0, s20;
	[sflag:s22] =	ssyncset.done $0x0  }
0xa6: {  	[sflag:s22] =	ssyncadd.s32 s5;
	_ =	sdelay $0x1  }
0xa7: {  	s23 =	simm.s32 $0x1B8B  }
0xa8: {  	_ =	swait.ge [sflag:s23], $0x1  }
0xa9: {  	[sflag:s23] =	ssyncset.done $0x0  }
0xaa: {  	s25 =	simm.s32 $0x1B8E;
	s24 =	sld [smem:$0x3FFE];
	[sflag:s23] =	ssyncadd.s32 $0xFFFFFFFF  }
0xab: {  	s26 =	simm.s32 $execute0_lowered;
	[smem:$0x3FD2] =	sst s25  }
0xac: {  	s6 =	sshll.u32 s26, $0x1;
	_ =	strace $0x80000046;
	[dreg:$0x1] =	wrdreg $0xFFFFFFFF  }
0xad: {  	s28 =	simm.s32 $_size_execute0_lowered;
	s4 =	sadd.s32 s4, s6;
	[dreg:$0x0] =	wrdreg $0x0  }
0xae: {  	s6 =	sshll.u32 s28, $0x1;
	[dreg:$0x2] =	wrdreg s4  }
0xaf: {  	[dreg:$0x3] =	wrdreg s6  }
0xb0: {  	[dreg:$0x4] =	wrdreg $0xC0  }
0xb1: {  	_ =	task [dreg:s8], $0x5FFFF  }
0xb2: {  	[dreg:$0x1] =	wrdreg $0xFFFFFFFF  }
0xb3: {  	[dreg:$0x0] =	wrdreg $0x60  }
0xb4: {  	[dreg:$0x2] =	wrdreg s15  }
0xb5: {  	[dreg:$0x3] =	wrdreg s16  }
0xb6: {  	[dreg:$0x4] =	wrdreg s24  }
0xb7: {  	[dreg:$0x5] =	wrdreg $0x9  }
0xb8: {  	_ =	task.clear_ibuf [dreg:s8], $0x6FFFF;
	_ =	strace $0x90000046  }
0xb9: {  	s29 =	simm.s32 $0x9;
	_ =	strace $0x8000004F  }
0xba: {  	_ =	swait.ge [sflag:s29], $0x1  }
0xbb: {  	[sflag:s29] =	ssyncadd.s32 $0xFFFFFFFF  }
0xbc: {  	_ =	strace $0x9000004F  }
0xbd: {  	_ =	sfence  }
0xbe: {  	s30 =	sld [smem:$0x0];
	_ =	sdelay $0x2  }
0xbf: {  	s31 =	sshll.u32 s1, $0xD;
	s1 =	sshrl.u32 s1, $0x2  }
0xc0: {  	s3 =	sand.u32 $0x4000, s31;
	s1 =	sadd.s32 s1, s30  }
0xc1: {  	s0 =	sor.u32 s3, s0;
	s1 =	sshll.u32 s1, $0x11  }
0xc2: {  	s0 =	sor.u32 s1, s0  }
0xc3: {  	s0 =	sadd.s32 $0x8F2B, s0  }
0xc4: {  	[sflag:s0] =	ssyncadd.remote.s32 $0x1  }
0xc5: {  	_ =	sfence.sel $0xFFFF  }
0xc6: {  	[dreg:$0x0] =	wrdreg $0xFFFFFFFF;
	(pc) =	sbr.abs _section_cstart, $3  }
0xc7: {  	[dreg:$0x1] =	wrdreg $0xFFFFFFFF  }
0xc8: {  	_ =	task.clear_ibuf [dreg:s8], $0x2FFFF;
	_ =	strace $0x9FFFFFFF  }
0xc9: {  	(tm) =	ssettm $0x7FFFFFFF  }
tec
execute0_lowered:
.L_overlay_start_1:
0x0: {  	(tag) =	ssettag $0x1  }
0x1: {  	s1 =	rddreg [dreg:$0x0]  }
0x2: {  	s2 =	rddreg [dreg:$0x1]  }
0x3: {  	s5 =	rddreg [dreg:$0x2];
	s3 =	srdreg.scid  }
0x4: {  	s0 =	rddreg [dreg:$0x3];
	s4 =	simm.s32 $0x0;
	s6 =	sand.u32 $0x1, s3  }
0x5: {  	s11 =	simm.s32 $0x0;
	s3 =	stileid.u32;
	s7 =	sshll.u32 s6, $0x4  }
0x6: {  	[smem:$0x7FF] =	sst s4;
	s10 =	sadd.s32 $0x49A00, s5;
	s7 =	sor.u32 s3, s7  }
0x7: {  	_ =	strace $0x80000047;
	s8 =	smul.u32 $0x3, s7;
	s9 =	sshll.u32 s7, $0x1  }
0x8: {  	[dreg:$0x4] =	wrdreg s10;
	p0 =	slt.u32 s7, $0x8;
	s5 =	sadd.s32 $0x8, s9  }
0x9: {  	s30 =	ssub.s32 $0x2, s6;
	s6 =	simm.s32 $0x3;
	s5 =	smov.u32 @p0 s8  }
0xa: {  	v2 =	vlaneseq.u32;
	s10 =	simm.s32 $0x5;
	s31 =	sshrl.u32 s30, $0x1;
	s8 =	sshll.u32 s5, $0x4  }
0xb: {  	vm0 =	vmmov $0xffff;
	v1 =	vshrl.u32 v2, $0x3;
	s6 =	simm.s32 @!p0 $0x2;
	s9 =	ssub.s32 s30, s31;
	s8 =	sand.u32 $0x1FFFFFF0, s8  }
0xc: {  	v0 =	vand.u32 $0x7, v2;
	v2 =	vor.u32 $0x8, v2;
	v1 =	vmul.u32 $0x8, v1;
	s9 =	smax.u32 s9, $0x1;
	s7 =	sadd.s32 s2, s8;
	s8 =	sadd.s32 $0xFFFFFFFF, s6  }
.LBB2_1:
0xd: {  	_ =	strace $0x80000048;
	s13 =	simm.s32 $0x0  }
0xe: {  	s12 =	simm.s32 $0x0;
	s14 =	simm.s32 $0x0;
	s15 =	simm.s32 $0x0  }
0xf: {  	[tilespmem:s4], [sflag:$0x1] =	stream.linear.gather [hbm4b:s7+s4], $0x80, $0x200038;
	[tilespmem:$0x10100] =	vst v63  }
0x10: {  	s16 =	simm.s32 $0x1;
	s17 =	simm.s32 $0x0;
	_ =	strace $0x90000048  }
.LBB2_2:
0x11: {  	s18 =	smov.u32 s13;
	s13 =	sadd.s32 $0x1, s13  }
0x12: {  	p0 =	seq.s32 s13, s6  }
0x13: {  	s13 =	simm.s32 @p0 $0x0  }
0x14: {  	p6 =	slt.u32 s17, s8;
	p1 =	sne.s32 s18, s13  }
0x15: {  	p0 =	por !p6, !p1  }
0x16: {  	p0 =	por !p0, !p0  }
0x17: {  	s19 =	sadd.s32 @p0 s5, s13  }
0x18: {  	s20 =	sand.u32 @p0 $0x1, s16;
	s19 =	sshll.u32 @p0 s19, $0x4  }
0x19: {  	_ =	strace @p0 $0x80000049;
	s22 =	simm.s32 @p0 $0x0;
	s19 =	sand.u32 @p0 $0x1FFFFFF0, s19  }
0x1a: {  	s21 =	sshll.u32 @p0 s20, $0x7;
	s20 =	sadd.s32 @p0 $0x1, s20;
	s19 =	sadd.s32 @p0 s2, s19  }
0x1b: {  	[tilespmem:s21], [sflag:s20] =	stream.linear.gather @p0 [hbm4b:s19+s22], $0x80, $0x200038;
	[tilespmem:$0x10100] =	vst v63  }
0x1c: {  	s23 =	sand.u32 $0x1, s15;
	_ =	strace @p0 $0x90000049  }
0x1d: {  	s19 =	sadd.s32 $0x1, s23;
	_ =	strace $0x8000004A  }
0x1e: {  	_ =	swait.ge [sflag:s19], $0x80  }
0x1f: {  	[sflag:s19] =	ssyncset.done $0x0  }
0x20: {  	[sflag:s19] =	ssyncadd.s32 $0xFFFFFF80  }
0x21: {  	s24 =	sshll.u32 s15, $0x7;
	_ =	strace $0x9000004A  }
0x22: {  	s22 =	sand.u32 $0x80, s24;
	_ =	strace $0x8000004B  }
0x23: {  	v3 =	vld [tilespmem:s22+$0x0];
	_ =	sdelay $0x4  }
0x24: {  	v4 =	vshll.u32 v3, $0x1  }
0x25: {  	v3 =	vand.u32 $0x7, v3;
	v4 =	vand.u32 $0xFFFFFFF0, v4  }
0x26: {  	v3 =	vor.u32 v3, v4  }
0x27: {  	v4 =	vperm.xlane v3, v0;
	_ =	sdelay $0x1  }
0x28: {  	v3 =	vperm.xlane v3, v2;
	v4 =	vadd.s32 v1, v4;
	_ =	sdelay $0x1  }
0x29: {  	s19 =	sand.u32 $0x1, s14;
	v3 =	vadd.s32 v1, v3  }
0x2a: {  	s21 =	sshll.u32 s19, $0xF  }
0x2b: {  	s20 =	sor.u32 $0x100, s21  }
0x2c: {  	[tilespmem:s20], [sflag:$0x5] =	stream.indirect_vreg.gather [hbm4b:s1+s4], $0x80, v4, vm0, $0x2000b8;
	[tilespmem:$0x10100] =	vst v63  }
0x2d: {  	s23 =	sor.u32 $0x900, s21  }
0x2e: {  	[tilespmem:s23], [sflag:$0x5] =	stream.indirect_vreg.gather [hbm4b:s1+s4], $0x80, v3, vm0, $0x2000b8;
	[tilespmem:$0x10100] =	vst v63  }
0x2f: {  	v3 =	vld [tilespmem:s22+$0x10];
	_ =	sdelay $0x4  }
0x30: {  	v57 =	vshll.u32 v3, $0x1  }
0x31: {  	v3 =	vand.u32 $0x7, v3;
	v4 =	vand.u32 $0xFFFFFFF0, v57  }
0x32: {  	v3 =	vor.u32 v3, v4  }
0x33: {  	v4 =	vperm.xlane v3, v0;
	_ =	sdelay $0x1  }
0x34: {  	v3 =	vperm.xlane v3, v2;
	v4 =	vadd.s32 v1, v4;
	_ =	sdelay $0x1  }
0x35: {  	v3 =	vadd.s32 v1, v3;
	_ =	sdelay $0x1  }
0x36: {  	s25 =	sor.u32 $0x1100, s21  }
0x37: {  	[tilespmem:s25], [sflag:$0x5] =	stream.indirect_vreg.gather [hbm4b:s1+s4], $0x80, v4, vm0, $0x2000b8;
	[tilespmem:$0x10100] =	vst v63  }
0x38: {  	s26 =	sor.u32 $0x1900, s21  }
0x39: {  	[tilespmem:s26], [sflag:$0x5] =	stream.indirect_vreg.gather [hbm4b:s1+s4], $0x80, v3, vm0, $0x2000b8;
	[tilespmem:$0x10100] =	vst v63  }
0x3a: {  	v3 =	vld [tilespmem:s22+$0x20];
	_ =	sdelay $0x4  }
0x3b: {  	v58 =	vshll.u32 v3, $0x1  }
0x3c: {  	v3 =	vand.u32 $0x7, v3;
	v4 =	vand.u32 $0xFFFFFFF0, v58  }
0x3d: {  	v3 =	vor.u32 v3, v4  }
0x3e: {  	v4 =	vperm.xlane v3, v0;
	_ =	sdelay $0x1  }
0x3f: {  	v3 =	vperm.xlane v3, v2;
	v4 =	vadd.s32 v1, v4;
	_ =	sdelay $0x1  }
0x40: {  	v3 =	vadd.s32 v1, v3;
	_ =	sdelay $0x1  }
0x41: {  	s28 =	sor.u32 $0x2100, s21  }
0x42: {  	[tilespmem:s28], [sflag:$0x5] =	stream.indirect_vreg.gather [hbm4b:s1+s4], $0x80, v4, vm0, $0x2000b8;
	[tilespmem:$0x10100] =	vst v63  }
0x43: {  	s29 =	sor.u32 $0x2900, s21  }
0x44: {  	[tilespmem:s29], [sflag:$0x5] =	stream.indirect_vreg.gather [hbm4b:s1+s4], $0x80, v3, vm0, $0x2000b8;
	[tilespmem:$0x10100] =	vst v63  }
0x45: {  	v3 =	vld [tilespmem:s22+$0x30];
	_ =	sdelay $0x4  }
0x46: {  	v59 =	vshll.u32 v3, $0x1  }
0x47: {  	v3 =	vand.u32 $0x7, v3;
	v4 =	vand.u32 $0xFFFFFFF0, v59  }
0x48: {  	v3 =	vor.u32 v3, v4  }
0x49: {  	v4 =	vperm.xlane v3, v0;
	_ =	sdelay $0x1  }
0x4a: {  	v3 =	vperm.xlane v3, v2;
	v4 =	vadd.s32 v1, v4;
	_ =	sdelay $0x1  }
0x4b: {  	v3 =	vadd.s32 v1, v3;
	_ =	sdelay $0x1  }
0x4c: {  	s30 =	sor.u32 $0x3100, s21  }
0x4d: {  	[tilespmem:s30], [sflag:$0x5] =	stream.indirect_vreg.gather [hbm4b:s1+s4], $0x80, v4, vm0, $0x2000b8;
	[tilespmem:$0x10100] =	vst v63  }
0x4e: {  	s31 =	sor.u32 $0x3900, s21  }
0x4f: {  	[tilespmem:s31], [sflag:$0x5] =	stream.indirect_vreg.gather [hbm4b:s1+s4], $0x80, v3, vm0, $0x2000b8;
	[tilespmem:$0x10100] =	vst v63  }
0x50: {  	v3 =	vld [tilespmem:s22+$0x40];
	_ =	sdelay $0x4  }
0x51: {  	v60 =	vshll.u32 v3, $0x1  }
0x52: {  	v3 =	vand.u32 $0x7, v3;
	v4 =	vand.u32 $0xFFFFFFF0, v60  }
0x53: {  	v3 =	vor.u32 v3, v4  }
0x54: {  	v4 =	vperm.xlane v3, v0;
	_ =	sdelay $0x1  }
0x55: {  	v3 =	vperm.xlane v3, v2;
	v4 =	vadd.s32 v1, v4;
	_ =	sdelay $0x1  }
0x56: {  	v3 =	vadd.s32 v1, v3;
	_ =	sdelay $0x1  }
0x57: {  	s24 =	sor.u32 $0x4100, s21  }
0x58: {  	[tilespmem:s24], [sflag:$0x5] =	stream.indirect_vreg.gather [hbm4b:s1+s4], $0x80, v4, vm0, $0x2000b8;
	[tilespmem:$0x10100] =	vst v63  }
0x59: {  	s25 =	sor.u32 $0x4900, s21  }
0x5a: {  	[tilespmem:s25], [sflag:$0x5] =	stream.indirect_vreg.gather [hbm4b:s1+s4], $0x80, v3, vm0, $0x2000b8;
	[tilespmem:$0x10100] =	vst v63  }
0x5b: {  	v3 =	vld [tilespmem:s22+$0x50];
	_ =	sdelay $0x4  }
0x5c: {  	v61 =	vshll.u32 v3, $0x1  }
0x5d: {  	v3 =	vand.u32 $0x7, v3;
	v4 =	vand.u32 $0xFFFFFFF0, v61  }
0x5e: {  	v3 =	vor.u32 v3, v4  }
0x5f: {  	v4 =	vperm.xlane v3, v0;
	_ =	sdelay $0x1  }
0x60: {  	v3 =	vperm.xlane v3, v2;
	v4 =	vadd.s32 v1, v4;
	_ =	sdelay $0x1  }
0x61: {  	v3 =	vadd.s32 v1, v3;
	_ =	sdelay $0x1  }
0x62: {  	s26 =	sor.u32 $0x5100, s21  }
0x63: {  	[tilespmem:s26], [sflag:$0x5] =	stream.indirect_vreg.gather [hbm4b:s1+s4], $0x80, v4, vm0, $0x2000b8;
	[tilespmem:$0x10100] =	vst v63  }
0x64: {  	s28 =	sor.u32 $0x5900, s21  }
0x65: {  	[tilespmem:s28], [sflag:$0x5] =	stream.indirect_vreg.gather [hbm4b:s1+s4], $0x80, v3, vm0, $0x2000b8;
	[tilespmem:$0x10100] =	vst v63  }
0x66: {  	v3 =	vld [tilespmem:s22+$0x60];
	_ =	sdelay $0x4  }
0x67: {  	v62 =	vshll.u32 v3, $0x1  }
0x68: {  	v3 =	vand.u32 $0x7, v3;
	v4 =	vand.u32 $0xFFFFFFF0, v62  }
0x69: {  	v3 =	vor.u32 v3, v4  }
0x6a: {  	v4 =	vperm.xlane v3, v0;
	_ =	sdelay $0x1  }
0x6b: {  	v3 =	vperm.xlane v3, v2;
	v4 =	vadd.s32 v1, v4;
	_ =	sdelay $0x1  }
0x6c: {  	v3 =	vadd.s32 v1, v3;
	_ =	sdelay $0x1  }
0x6d: {  	s29 =	sor.u32 $0x6100, s21  }
0x6e: {  	[tilespmem:s29], [sflag:$0x5] =	stream.indirect_vreg.gather [hbm4b:s1+s4], $0x80, v4, vm0, $0x2000b8;
	[tilespmem:$0x10100] =	vst v63  }
0x6f: {  	s30 =	sor.u32 $0x6900, s21  }
0x70: {  	[tilespmem:s30], [sflag:$0x5] =	stream.indirect_vreg.gather [hbm4b:s1+s4], $0x80, v3, vm0, $0x2000b8;
	[tilespmem:$0x10100] =	vst v63  }
0x71: {  	v3 =	vld [tilespmem:s22+$0x70];
	_ =	sdelay $0x4  }
0x72: {  	v63 =	vshll.u32 v3, $0x1  }
0x73: {  	v3 =	vand.u32 $0x7, v3;
	v4 =	vand.u32 $0xFFFFFFF0, v63  }
0x74: {  	v3 =	vor.u32 v3, v4  }
0x75: {  	v4 =	vperm.xlane v3, v0;
	_ =	sdelay $0x1  }
0x76: {  	v3 =	vperm.xlane v3, v2;
	v4 =	vadd.s32 v1, v4;
	_ =	sdelay $0x1  }
0x77: {  	v3 =	vadd.s32 v1, v3;
	_ =	sdelay $0x1  }
0x78: {  	s31 =	sor.u32 $0x7100, s21  }
0x79: {  	[tilespmem:s31], [sflag:$0x5] =	stream.indirect_vreg.gather [hbm4b:s1+s4], $0x80, v4, vm0, $0x2000b8;
	[tilespmem:$0x10100] =	vst v63  }
0x7a: {  	s21 =	sor.u32 $0x7900, s21  }
0x7b: {  	[tilespmem:s21], [sflag:$0x5] =	stream.indirect_vreg.gather [hbm4b:s1+s4], $0x80, v3, vm0, $0x2000b8;
	[tilespmem:$0x10100] =	vst v63  }
0x7c: {  	_ =	swait.ge [sflag:s10], $0x8000  }
0x7d: {  	p2 =	seq.s32 s8, s17;
	[sflag:s10] =	ssyncset.done $0x0  }
0x7e: {  	s18 =	sadd.s32 s5, s18;
	p1 =	por p2, p1;
	[sflag:s10] =	ssyncadd.s32 $0xFFFF8000  }
0x7f: {  	s18 =	sshll.u32 @p1 s18, $0xC;
	_ =	strace $0x9000004B  }
0x80: {  	s18 =	sand.u32 @p1 $0x1FFFF000, s18;
	s22 =	simm.s32 $0x1;
	_ =	strace @p1 $0x8000004C  }
0x81: {  	s19 =	sadd.s32 @p1 $0x3, s19;
	s22 =	simm.s32 @!p0 $0x0;
	s21 =	rddreg [dreg:$0x4]  }
0x82: {  	p0 =	seq.s32 s17, $0x0;
	s18 =	sadd.s32 @p1 s21, s18;
	s21 =	simm.s32 @p1 $0x0  }
0x83: {  	[hbm4b:s18+s21] =	stream.linear.scatter @p1 [tilespmem:s20], [sflag:s19], $0x8000, $0x200038;
	[tilespmem:$0x10100] =	vst v63  }
0x84: {  	s18 =	simm.s32 $0x1;
	s20 =	simm.s32 $0x1;
	_ =	strace @p1 $0x9000004C  }
0x85: {  	s18 =	simm.s32 @!p1 $0x0;
	p1 =	sne.s32 s17, $0x0;
	s17 =	sadd.s32 $0x1, s17  }
0x86: {  	s19 =	sand.u32 @!p0 $0x1, s12;
	s20 =	simm.s32 @!p1 $0x0;
	p1 =	sne.s32 s6, s17  }
.Ltmp0:
0x87: {  	s19 =	sadd.s32 @!p0 $0x3, s19;
	_ =	strace @!p0 $0x8000004D;
	(pc) =	sbr.rel @p1 .LBB2_2-.Ltmp0, $4  }
0x88: {  	_ =	swait.ge @!p0 [sflag:s19], $0x8000  }
0x89: {  	[sflag:s19] =	ssyncset.done @!p0 $0x0  }
0x8a: {  	s16 =	sadd.s32 s22, s16;
	s14 =	sadd.s32 s18, s14;
	[sflag:s19] =	ssyncadd.s32 @!p0 $0xFFFF8000  }
0x8b: {  	s15 =	sadd.s32 s18, s15;
	s12 =	sadd.s32 s20, s12;
	_ =	strace @!p0 $0x9000004D  }
0x8c: {  	s11 =	sadd.s32 $0x1, s11  }
0x8d: {  	s12 =	sand.u32 $0x1, s12;
	p0 =	sne.s32 s11, s9  }
.Ltmp1:
0x8e: {  	_ =	strace $0x8000004E;
	s12 =	sadd.s32 $0x3, s12;
	(pc) =	sbr.rel @p0 .LBB2_1-.Ltmp1, $4  }
0x8f: {  	_ =	swait.ge [sflag:s12], $0x8000  }
0x90: {  	[sflag:s12] =	ssyncset.done $0x0  }
0x91: {  	[sflag:s12] =	ssyncadd.s32 $0xFFFF8000  }
0x92: {  	_ =	strace $0x9000004E  }
0x93: {  	_ =	sfence.sel $0x180000  }
0x94: {  	[bflag:$0x0] =	sbarrier.arrive $0xFFFF  }
0x95: {  	p0 =	sne.s32 s3, $0x0;
	_ =	strace $0x90000047  }
0x96: {  	s0 =	sadd.s32 @!p0 $0x100000, s0;
	[bflag:$0x2] =	sbarrier.arrive $0xFFFF  }
0x97: {  	[sflag:s0] =	ssyncadd.tile.s32 @!p0 $0x1;
	_ =	shalt  }
.Lfunc_end2:
_tile_overlayer_lowered:
.L_overlay_start_2:
0x98: {  	(tag) =	ssettag $0x2  }
0x99: {  	s0 =	rddreg [dreg:$0x0];
	s2 =	stileid.u32  }
0x9a: {  	s1 =	rddreg [dreg:$0x1];
	p0 =	sne.s32 s2, $0x0  }
0x9b: {  	s3 =	rddreg [dreg:$0x2];
	[bflag:$0x3] =	sbarrier.arrive $0xFFFF;
	s2 =	simm.s32 @!p0 $0x1C01  }
0x9c: {  	[timem:s3], [sflag:s2] =	dma.local @!p0 [hbm:s0], s1  }
0x9d: {  	s0 =	simm.s32 @!p0 $0x1  }
0x9e: {  	_ =	swait.ge @!p0 [sflag:s0], s1  }
0x9f: {  	s1 =	ssub.s32 @!p0 $0x0, s1;
	[sflag:s0] =	ssyncset.done @!p0 $0x0  }
0xa0: {  	[sflag:s0] =	ssyncadd.s32 @!p0 s1  }
0xa1: {  	[bflag:$0x3] =	sbarrier.arrive $0xFFFF  }
0xa2: {  	_ =	shalt  }

</sc_bundles>
